<compile_context>
chip_gen: v7x
topology: tpu7x:2x2x1
jax: 0.10.2.dev20260603
libtpu: 0.0.44.dev20260713+nightly
codegen_flags: <defaults>
</compile_context>

<pallas_src>
import functools

import jax
import jax.numpy as jnp
from jax import lax
from jax.experimental import pallas as pl
from jax.experimental.pallas import tpu as pltpu
from jax.experimental.pallas import tpu_sc as plsc

N = 10000
E = 320000
AF = 128
NF = 16
S = 128

NC = 2
NS = 16
NW = NC * NS

GC = 400
CGC = 80

NH = N // NC
NLOC = NH + 8
NPT1 = (NH // NS) // 8 * 8
SB = 24


def _fill_rows(ref, nrows, value):
    def fi(i, carry):
        def fj(j, carry2):
            ref[i, pl.ds(j * 16, 16)] = jnp.full((16,), value, jnp.float32)
            return carry2
        lax.fori_loop(0, AF // 16, fj, 0)
        return carry

    lax.fori_loop(0, nrows, fi, 0)


def _fill_ids(ids_ref, nrows, base):
    def fi(i, carry):
        ids_ref[pl.ds(i * 16, 16)] = lax.iota(jnp.int32, 16) + base + i * 16
        return carry

    lax.fori_loop(0, nrows // 16, fi, 0)
    ids_ref[pl.ds(nrows - 16, 16)] = (lax.iota(jnp.int32, 16)
                                      + base + nrows - 16)


def _fill_ids2(ids_ref, nch, base):
    def fj(j, carry):
        row0 = base + j * SB
        ids_ref[j, pl.ds(0, 16)] = lax.iota(jnp.int32, 16) + row0
        ids_ref[j, pl.ds(SB - 16, 16)] = (lax.iota(jnp.int32, 16)
                                          + row0 + SB - 16)
        return carry

    lax.fori_loop(0, nch, fj, 0)


def _gather_body(table_hbm, idx_hbm, out_hbm, idx_v, rows_v, sem):
    wid = lax.axis_index("s") * NC + lax.axis_index("c")
    per_w = (2 * E) // NW
    base0 = wid * per_w

    def body(i, carry):
        base = base0 + i * GC
        pltpu.sync_copy(idx_hbm.at[pl.ds(base, GC)], idx_v)
        pltpu.async_copy(table_hbm.at[idx_v], rows_v, sem).wait()
        pltpu.sync_copy(rows_v, out_hbm.at[pl.ds(base, GC)])
        return carry

    lax.fori_loop(0, per_w // GC, body, 0)


def _sc_gather(atom_fea, idx_flat):
    mesh = plsc.VectorSubcoreMesh(core_axis_name="c", subcore_axis_name="s")
    k = functools.partial(
        pl.kernel,
        mesh=mesh,
        out_type=jax.ShapeDtypeStruct((2 * E, AF), jnp.float32),
        scratch_types=[
            pltpu.VMEM((GC,), jnp.int32),
            pltpu.VMEM((GC, AF), jnp.float32),
            pltpu.SemaphoreType.DMA,
        ],
    )(_gather_body)
    return k(atom_fea, idx_flat)


NCH = NPT1 // SB


def _spmem_zero(sh_ref, buf_v, ids2_v, tids_v, s, sem):
    _fill_rows(buf_v, SB, 0.0)
    r0 = s * NPT1
    _fill_ids2(ids2_v, NCH, r0)

    def zc(j, carry):
        pltpu.async_copy(buf_v, sh_ref.at[ids2_v.at[j]], sem).wait()
        return carry

    lax.fori_loop(0, NCH, zc, 0)

    @pl.when(s == NS - 1)
    def _zero_tail():
        t0 = NPT1 * NS
        _fill_ids(tids_v, 16, t0)
        pltpu.async_copy(buf_v.at[pl.ds(0, 16)],
                         sh_ref.at[tids_v], sem).wait()


def _spmem_readout(sh_ref, out_hbm, buf_v, ids2_v, tids_v, s, node0, sem):
    r0 = s * NPT1

    def oc(j, carry):
        pltpu.async_copy(sh_ref.at[ids2_v.at[j]], buf_v, sem).wait()
        pltpu.sync_copy(buf_v,
                        out_hbm.at[pl.ds(node0 + r0 + j * SB, SB)])
        return carry

    lax.fori_loop(0, NCH, oc, 0)

    @pl.when(s == NS - 1)
    def _out_tail():
        _fill_ids(tids_v, 16, NH - 16)
        pltpu.async_copy(sh_ref.at[tids_v],
                         buf_v.at[pl.ds(0, 16)], sem).wait()
        pltpu.sync_copy(buf_v.at[pl.ds(0, 16)],
                        out_hbm.at[pl.ds(node0 + NH - 16, 16)])


def _count_body(idx0_hbm, cnt_hbm, cidx_v, ones_v, buf_v, ids2_v, tids_v,
                cnt_sh, sem):
    c = lax.axis_index("c")
    s = lax.axis_index("s")
    node0 = c * NH

    _spmem_zero(cnt_sh, buf_v, ids2_v, tids_v, s, sem)
    _fill_rows(ones_v, CGC, 1.0)
    plsc.subcore_barrier()

    per_t = E // NS

    def cbody(i, carry):
        base = s * per_t + i * CGC
        pltpu.sync_copy(idx0_hbm.at[pl.ds(base, CGC)], cidx_v)

        def remap(j, carry2):
            v = cidx_v[pl.ds(j * 16, 16)] - node0
            ok = (v >= 0) & (v < NH)
            cidx_v[pl.ds(j * 16, 16)] = jnp.where(ok, v, NH)
            return carry2

        lax.fori_loop(0, CGC // 16, remap, 0)
        pltpu.async_copy(ones_v, cnt_sh.at[cidx_v], sem, add=True).wait()
        return carry

    lax.fori_loop(0, per_t // CGC, cbody, 0)
    plsc.subcore_barrier()
    _spmem_readout(cnt_sh, cnt_hbm, buf_v, ids2_v, tids_v, s, node0, sem)


def _sc_counts(idx0):
    mesh = plsc.VectorSubcoreMesh(core_axis_name="c", subcore_axis_name="s")
    k = functools.partial(
        pl.kernel,
        mesh=mesh,
        out_type=jax.ShapeDtypeStruct((N, AF), jnp.float32),
        scratch_types=[
            pltpu.VMEM((CGC,), jnp.int32),
            pltpu.VMEM((CGC, AF), jnp.float32),
            pltpu.VMEM((SB, AF), jnp.float32),
            pltpu.VMEM((NCH, SB), jnp.int32),
            pltpu.VMEM((16,), jnp.int32),
            pltpu.VMEM_SHARED((NLOC, AF), jnp.float32),
            pltpu.SemaphoreType.DMA,
        ],
    )(_count_body)
    return k(idx0)


B = 1600
NB = E // B


def _edge_tg(g_ref, nbr_ref, rbf_ref, wg_ref, wrbf_ref, w2_ref):
    nbrw = nbr_ref[...] * jnp.dot(rbf_ref[...], wrbf_ref[...],
                                  preferred_element_type=jnp.float32)
    tg = jnp.dot(g_ref[...].astype(jnp.bfloat16),
                 wg_ref[...].astype(jnp.bfloat16),
                 preferred_element_type=jnp.float32)
    tg = tg + jnp.dot(nbrw, w2_ref[...], preferred_element_type=jnp.float32)
    return tg


def _k2a_body(g_ref, nbr_ref, rbf_ref, seg_v_ref, seg_s_ref,
              wg_ref, wrbf_ref, w2_ref, ssum_ref, ssq_ref, cnt_ref):
    i = pl.program_id(0)

    @pl.when(i == 0)
    def _init():
        ssum_ref[...] = jnp.zeros_like(ssum_ref)
        ssq_ref[...] = jnp.zeros_like(ssq_ref)
        cnt_ref[...] = jnp.zeros_like(cnt_ref)

    tg = _edge_tg(g_ref, nbr_ref, rbf_ref, wg_ref, wrbf_ref, w2_ref)
    tg2 = tg * tg
    s0 = seg_s_ref[0, 0, 0]
    s1 = seg_s_ref[0, 0, B - 1]

    @pl.when(s0 == s1)
    def _fast():
        ssum_ref[pl.ds(s0, 1), :] += jnp.sum(tg, axis=0, keepdims=True)
        ssq_ref[pl.ds(s0, 1), :] += jnp.sum(tg2, axis=0, keepdims=True)
        cnt_ref[pl.ds(s0, 1), :] += jnp.full((1, 1), float(B), jnp.float32)

    @pl.when(s0 != s1)
    def _slow():
        seg_row = seg_v_ref[0]
        rows = lax.broadcasted_iota(jnp.int32, (S, B), 0)
        onehot = jnp.where(rows == jnp.broadcast_to(seg_row, (S, B)),
                           1.0, 0.0).astype(jnp.float32)
        ssum_ref[...] += jnp.dot(onehot, tg,
                                 preferred_element_type=jnp.float32)
        ssq_ref[...] += jnp.dot(onehot, tg2,
                                preferred_element_type=jnp.float32)
        cnt_ref[...] += jnp.sum(onehot, axis=1, keepdims=True)


def _k2s_body(ssum_ref, ssq_ref, cnt_ref, gamma_ref, beta_ref,
              a_ref, b_ref):
    cnt = jnp.maximum(cnt_ref[...], 1.0)
    mean = ssum_ref[...] / cnt
    var = jnp.maximum(ssq_ref[...] / cnt - mean * mean, 0.0)
    a = gamma_ref[...] / jnp.sqrt(var + 1e-5)
    a_ref[...] = a
    b_ref[...] = beta_ref[...] - mean * a


def _k2b_body(g_ref, nbr_ref, rbf_ref, seg_v_ref, seg_s_ref,
              wg_ref, wrbf_ref, w2_ref, a_ref, b_ref,
              wm_ref, gln_ref, bln_ref, msg_ref):
    tg = _edge_tg(g_ref, nbr_ref, rbf_ref, wg_ref, wrbf_ref, w2_ref)
    s0 = seg_s_ref[0, 0, 0]
    s1 = seg_s_ref[0, 0, B - 1]

    def finish(tgn):
        tgn_f = tgn[:, :AF]
        tgn_c = tgn[:, AF:]
        filt = jax.nn.sigmoid(
            jnp.sum(tgn_f * wm_ref[...], axis=1, keepdims=True))
        m = jnp.mean(tgn_c, axis=1, keepdims=True)
        v = jnp.mean((tgn_c - m) ** 2, axis=1, keepdims=True)
        core = (tgn_c - m) / jnp.sqrt(v + 1e-5) * gln_ref[...] + bln_ref[...]
        core = core * jax.nn.sigmoid(core)
        msg_ref[...] = filt * core

    @pl.when(s0 == s1)
    def _fast():
        a_row = a_ref[pl.ds(s0, 1), :]
        b_row = b_ref[pl.ds(s0, 1), :]
        finish(tg * a_row + b_row)

    @pl.when(s0 != s1)
    def _slow():
        seg_col = seg_v_ref[0]
        cols = lax.broadcasted_iota(jnp.int32, (B, S), 1)
        onehot = jnp.where(cols == jnp.broadcast_to(seg_col, (B, S)),
                           1.0, 0.0).astype(jnp.float32)
        a_e = jnp.dot(onehot, a_ref[...], preferred_element_type=jnp.float32)
        b_e = jnp.dot(onehot, b_ref[...], preferred_element_type=jnp.float32)
        finish(tg * a_e + b_e)


SCC = 80


def _scatter_body(msg_hbm, idx_hbm, acc_hbm,
                  msg_v, idx_v, buf_v, ids2_v, tids_v, acc_sh, sem):
    c = lax.axis_index("c")
    s = lax.axis_index("s")
    per_t = E // NS
    base0 = s * per_t
    node0 = c * NH

    _spmem_zero(acc_sh, buf_v, ids2_v, tids_v, s, sem)
    plsc.subcore_barrier()

    def body(i, carry):
        base = base0 + i * SCC
        pltpu.sync_copy(idx_hbm.at[pl.ds(base, SCC)], idx_v)
        pltpu.sync_copy(msg_hbm.at[pl.ds(base, SCC)], msg_v)

        def remap(j, carry2):
            v = idx_v[pl.ds(j * 16, 16)] - node0
            ok = (v >= 0) & (v < NH)
            idx_v[pl.ds(j * 16, 16)] = jnp.where(ok, v, NH)
            return carry2

        lax.fori_loop(0, SCC // 16, remap, 0)
        pltpu.async_copy(msg_v, acc_sh.at[idx_v], sem, add=True).wait()
        return carry

    lax.fori_loop(0, per_t // SCC, body, 0)
    plsc.subcore_barrier()
    _spmem_readout(acc_sh, acc_hbm, buf_v, ids2_v, tids_v, s, node0, sem)


def _sc_scatter(msg, idx0):
    mesh = plsc.VectorSubcoreMesh(core_axis_name="c", subcore_axis_name="s")
    k = functools.partial(
        pl.kernel,
        mesh=mesh,
        out_type=jax.ShapeDtypeStruct((N, AF), jnp.float32),
        scratch_types=[
            pltpu.VMEM((SCC, AF), jnp.float32),
            pltpu.VMEM((SCC,), jnp.int32),
            pltpu.VMEM((SB, AF), jnp.float32),
            pltpu.VMEM((NCH, SB), jnp.int32),
            pltpu.VMEM((16,), jnp.int32),
            pltpu.VMEM_SHARED((NLOC, AF), jnp.float32),
            pltpu.SemaphoreType.DMA,
        ],
    )(_scatter_body)
    return k(msg, idx0)


BN = 400
NBN = N // BN


def _k4_body(acc_ref, cnt_ref, attr_ref, wsc_ref, out_ref):
    counts = cnt_ref[:, :1] + 1e-6
    sc = (attr_ref[:, 0:1] * wsc_ref[0:1, :]
          + attr_ref[:, 1:2] * wsc_ref[1:2, :])
    inv_sqrt_2 = 0.7071067811865475
    out_ref[...] = inv_sqrt_2 * (acc_ref[...] / jnp.sqrt(counts) + sc)


def kernel(atom_fea, nbr_fea, rbf, nbr_fea_idx, crystal_edge_index, atom_attr,
           W_fc, W_mask, W_rbf, W_sc, gamma1, beta1, g_ln, b_ln):
    f32 = jnp.float32
    idx_flat = nbr_fea_idx.reshape(-1)
    idx0 = nbr_fea_idx[:, 0]
    seg_row = crystal_edge_index.reshape(NB, 1, B)
    seg_col = crystal_edge_index.reshape(NB, B, 1)

    G2 = _sc_gather(atom_fea, idx_flat)
    ecnt = _sc_counts(idx0)
    G = G2.reshape(E, 2 * AF)

    Wg = W_fc[: 2 * AF]
    W2 = W_fc[2 * AF:]

    ssum, ssq, cnt = pl.pallas_call(
        _k2a_body,
        grid=(NB,),
        in_specs=[
            pl.BlockSpec((B, 2 * AF), lambda i: (i, 0)),
            pl.BlockSpec((B, NF), lambda i: (i, 0)),
            pl.BlockSpec((B, NF), lambda i: (i, 0)),
            pl.BlockSpec((1, 1, B), lambda i: (i, 0, 0)),
            pl.BlockSpec((1, 1, B), lambda i: (i, 0, 0),
                         memory_space=pltpu.SMEM),
            pl.BlockSpec((2 * AF, 2 * AF), lambda i: (0, 0)),
            pl.BlockSpec((NF, NF), lambda i: (0, 0)),
            pl.BlockSpec((NF, 2 * AF), lambda i: (0, 0)),
        ],
        out_specs=(
            pl.BlockSpec((S, 2 * AF), lambda i: (0, 0)),
            pl.BlockSpec((S, 2 * AF), lambda i: (0, 0)),
            pl.BlockSpec((S, 1), lambda i: (0, 0)),
        ),
        out_shape=(
            jax.ShapeDtypeStruct((S, 2 * AF), f32),
            jax.ShapeDtypeStruct((S, 2 * AF), f32),
            jax.ShapeDtypeStruct((S, 1), f32),
        ),
        compiler_params=pltpu.CompilerParams(
            dimension_semantics=("arbitrary",)),
    )(G, nbr_fea, rbf, seg_row, seg_row, Wg, W_rbf, W2)

    a_sc, b_sc = pl.pallas_call(
        _k2s_body,
        out_shape=(jax.ShapeDtypeStruct((S, 2 * AF), f32),
                   jax.ShapeDtypeStruct((S, 2 * AF), f32)),
    )(ssum, ssq, cnt, gamma1.reshape(1, -1), beta1.reshape(1, -1))

    msg = pl.pallas_call(
        _k2b_body,
        grid=(NB,),
        in_specs=[
            pl.BlockSpec((B, 2 * AF), lambda i: (i, 0)),
            pl.BlockSpec((B, NF), lambda i: (i, 0)),
            pl.BlockSpec((B, NF), lambda i: (i, 0)),
            pl.BlockSpec((1, B, 1), lambda i: (i, 0, 0)),
            pl.BlockSpec((1, 1, B), lambda i: (i, 0, 0),
                         memory_space=pltpu.SMEM),
            pl.BlockSpec((2 * AF, 2 * AF), lambda i: (0, 0)),
            pl.BlockSpec((NF, NF), lambda i: (0, 0)),
            pl.BlockSpec((NF, 2 * AF), lambda i: (0, 0)),
            pl.BlockSpec((S, 2 * AF), lambda i: (0, 0)),
            pl.BlockSpec((S, 2 * AF), lambda i: (0, 0)),
            pl.BlockSpec((1, AF), lambda i: (0, 0)),
            pl.BlockSpec((1, AF), lambda i: (0, 0)),
            pl.BlockSpec((1, AF), lambda i: (0, 0)),
        ],
        out_specs=pl.BlockSpec((B, AF), lambda i: (i, 0)),
        out_shape=jax.ShapeDtypeStruct((E, AF), f32),
        compiler_params=pltpu.CompilerParams(
            dimension_semantics=("arbitrary",)),
    )(G, nbr_fea, rbf, seg_col, seg_row, Wg, W_rbf, W2, a_sc, b_sc,
      W_mask.reshape(1, -1), g_ln.reshape(1, -1), b_ln.reshape(1, -1))

    acc = _sc_scatter(msg, idx0)

    out = pl.pallas_call(
        _k4_body,
        grid=(NBN,),
        in_specs=[
            pl.BlockSpec((BN, AF), lambda i: (i, 0)),
            pl.BlockSpec((BN, AF), lambda i: (i, 0)),
            pl.BlockSpec((BN, 2), lambda i: (i, 0)),
            pl.BlockSpec((2, AF), lambda i: (0, 0)),
        ],
        out_specs=pl.BlockSpec((BN, AF), lambda i: (i, 0)),
        out_shape=jax.ShapeDtypeStruct((N, AF), f32),
    )(acc, ecnt, atom_attr, W_sc)

    return out

# --- scband reference (transcript-rebuilt; emitter-appended) ---
"""Pipeline reference for scband-modi-cgcnn-46248207843554 (READ-ONLY COPY).

The authoritative reference and input builder live on the scoring server;
editing this copy changes nothing except your own understanding.
"""

import jax, jax.numpy as jnp
import numpy as np

N = 10000
E = 320000
AF = 128  # atom_fea_len
NF = 16   # nbr_fea_len
NR = 16   # num_radial
EL = 2    # element_len
S = 128   # number of crystals (segments for Crystal_Norm)


def _crystal_norm(x, seg, gamma, beta, num_segments):
    # GraphNorm-style: per-crystal, per-feature mean/var normalization + affine
    ones = jnp.ones((x.shape[0],), x.dtype)
    cnt = jax.ops.segment_sum(ones, seg, num_segments=num_segments)
    cnt = jnp.maximum(cnt, 1.0)
    mean = jax.ops.segment_sum(x, seg, num_segments=num_segments) / cnt[:, None]
    ex2 = jax.ops.segment_sum(x * x, seg, num_segments=num_segments) / cnt[:, None]
    var = jnp.maximum(ex2 - mean * mean, 0.0)
    xn = (x - mean[seg]) / jnp.sqrt(var[seg] + 1e-5)
    return xn * gamma + beta


def _layer_norm(x, g, b):
    m = jnp.mean(x, axis=-1, keepdims=True)
    v = jnp.var(x, axis=-1, keepdims=True)
    return (x - m) / jnp.sqrt(v + 1e-5) * g + b


def setup_inputs(seed: int = 0):
    key = jax.random.key(seed)
    ks = jax.random.split(key, 16)
    atom_fea = jax.random.normal(ks[0], (N, AF), dtype=jnp.float32)
    nbr_fea = jax.random.normal(ks[1], (E, NF), dtype=jnp.float32)
    rbf = jax.random.uniform(ks[2], (E, NR), dtype=jnp.float32)
    nbr_fea_idx = jax.random.randint(ks[3], (E, 2), 0, N, dtype=jnp.int32)
    crystal_edge_index = jnp.sort(jax.random.randint(ks[4], (E,), 0, S, dtype=jnp.int32))
    atom_attr = jax.random.normal(ks[5], (N, EL), dtype=jnp.float32)
    # learned parameters (Dense layers are bias-free linears)
    W_fc = jax.random.normal(ks[6], (2 * AF + NF, 2 * AF), dtype=jnp.float32) / np.sqrt(2 * AF + NF)
    W_mask = jax.random.normal(ks[7], (AF, 1), dtype=jnp.float32) / np.sqrt(AF)
    W_rbf = jax.random.normal(ks[8], (NR, NF), dtype=jnp.float32) / np.sqrt(NR)
    W_sc = jax.random.normal(ks[9], (EL, AF), dtype=jnp.float32) / np.sqrt(EL)
    gamma1 = jnp.ones((2 * AF,), dtype=jnp.float32)
    beta1 = jnp.zeros((2 * AF,), dtype=jnp.float32)
    g_ln = jnp.ones((AF,), dtype=jnp.float32)
    b_ln = jnp.zeros((AF,), dtype=jnp.float32)
    return {
        'atom_fea': atom_fea, 'nbr_fea': nbr_fea, 'rbf': rbf,
        'nbr_fea_idx': nbr_fea_idx, 'crystal_edge_index': crystal_edge_index,
        'atom_attr': atom_attr,
        'W_fc': W_fc, 'W_mask': W_mask, 'W_rbf': W_rbf, 'W_sc': W_sc,
        'gamma1': gamma1, 'beta1': beta1, 'g_ln': g_ln, 'b_ln': b_ln,
    }


def reference(atom_fea, nbr_fea, rbf, nbr_fea_idx, crystal_edge_index, atom_attr,
              W_fc, W_mask, W_rbf, W_sc, gamma1, beta1, g_ln, b_ln):
    inv_sqrt_2 = 1.0 / 2.0 ** 0.5
    sum_idx = nbr_fea_idx[:, 0]
    sc = atom_attr @ W_sc                                   # [N, AF]
    nbr_fea_w = nbr_fea * (rbf @ W_rbf)                     # [E, NF]
    atom_nbr_fea = atom_fea[nbr_fea_idx].reshape(-1, 2 * AF)  # gather -> [E, 2*AF]
    total_nbr_fea = jnp.concatenate([atom_nbr_fea, nbr_fea_w], axis=1)  # [E, 2*AF+NF]
    total_gated = total_nbr_fea @ W_fc                      # [E, 2*AF]
    total_gated = _crystal_norm(total_gated, crystal_edge_index, gamma1, beta1, S)
    nbr_filter, nbr_core = jnp.split(total_gated, 2, axis=1)
    nbr_filter = jax.nn.sigmoid(nbr_filter @ W_mask)        # [E, 1]
    nbr_core = _layer_norm(nbr_core, g_ln, b_ln)
    nbr_core = jax.nn.silu(nbr_core)
    nbr_sumed = jax.ops.segment_sum(nbr_filter * nbr_core, sum_idx, num_segments=N)
    counts = jnp.bincount(sum_idx, length=N).astype(jnp.float32) + 1e-06
    counts = jnp.sqrt(counts).reshape(-1, 1)
    nbr_sumed = nbr_sumed / counts
    atom_fea_out = inv_sqrt_2 * (nbr_sumed + sc)
    return atom_fea_out

if __name__ == "__main__":
    import jax
    _d = setup_inputs()
    print(jax.jit(kernel)(*tuple(_d.values())))

</pallas_src>

<mosaic_0001>
#map = affine_map<(d0, d1) -> (0, 0)>
#map1 = affine_map<(d0, d1) -> (0)>
module attributes {stable_mosaic.version = 14 : i64} {
  func.func @_gather_body(%arg0: i32, %arg1: i32, %arg2: memref<10000x128xf32, #tpu.memory_space<hbm>>, %arg3: memref<640000xi32, #tpu.memory_space<hbm>>, %arg4: memref<640000x128xf32, #tpu.memory_space<hbm>>, %arg5: memref<400xi32, #tpu.memory_space<vmem>>, %arg6: memref<400x128xf32, #tpu.memory_space<vmem>>, %arg7: memref<!tpu.dma_semaphore, #tpu.memory_space<semaphore_mem>>) attributes {dimension_semantics = [#tpu.dimension_semantics<core_parallel>, #tpu.dimension_semantics<subcore_parallel>], iteration_bounds = array<i64: 2, 16>, scalar_prefetch = 0 : i64, scratch_operands = 3 : i64, tpu.core_type = #tpu.core_type<sc_vector_subcore>, window_params = [{transform_indices = #map}, {transform_indices = #map1}, {transform_indices = #map}]} {
    %mul3A = arith.constant 2 : i32
    %mul3A_0 = arith.muli %arg1, %mul3A : i32
    %add3A = arith.addi %mul3A_0, %arg0 : i32
    %mul3A_1 = arith.constant 20000 : i32
    %mul3A_2 = arith.muli %add3A, %mul3A_1 : i32
    %scan3A = arith.constant 0 : i32
    %scan3A_3 = arith.constant 0 : i32
    %scan3A_4 = arith.constant 50 : i32
    %scan3A_5 = arith.addi %scan3A_3, %scan3A_4 : i32
    %scan3A_6 = arith.constant 1 : i32
    scf.for %scan3A_8 = %scan3A_3 to %scan3A_5 step %scan3A_6  : i32 {
      %mul3A_9 = arith.constant 400 : i32
      %mul3A_10 = arith.muli %scan3A_8, %mul3A_9 : i32
      %add3A_11 = arith.addi %mul3A_2, %mul3A_10 : i32
      "tpu.region"() ({
        %run_scoped3A = tpu.sem_alloc : memref<!tpu.dma_semaphore, #tpu.memory_space<semaphore_mem>>
        %dma_start3A_16 = tpu.memref_slice %arg3[%add3A_11] : memref<640000xi32, #tpu.memory_space<hbm>> -> memref<400xi32, #tpu.memory_space<hbm>>
        %dma_start3A_17 = tpu.memref_slice %arg3[%add3A_11] : memref<640000xi32, #tpu.memory_space<hbm>> -> memref<400xi32, #tpu.memory_space<hbm>>
        tpu.enqueue_dma source(%dma_start3A_17 : memref<400xi32, #tpu.memory_space<hbm>>) target(%arg5 : memref<400xi32, #tpu.memory_space<vmem>>) target_semaphore(%run_scoped3A : memref<!tpu.dma_semaphore, #tpu.memory_space<semaphore_mem>>)
        %dma_wait3A_18 = tpu.memref_slice %arg3[%add3A_11] : memref<640000xi32, #tpu.memory_space<hbm>> -> memref<400xi32, #tpu.memory_space<hbm>>
        %dma_wait3A_19 = tpu.memref_slice %arg3[%add3A_11] : memref<640000xi32, #tpu.memory_space<hbm>> -> memref<400xi32, #tpu.memory_space<hbm>>
        tpu.wait_dma2 semaphore(%run_scoped3A : memref<!tpu.dma_semaphore, #tpu.memory_space<semaphore_mem>>) src(%dma_wait3A_19 : memref<400xi32, #tpu.memory_space<hbm>>) dst(%arg5 : memref<400xi32, #tpu.memory_space<vmem>>)
        tpu.yield
      }) : () -> ()
      %dma_start3A = arith.constant 0 : i32
      %dma_start3A_12 = arith.constant 0 : i32
      %dma_start3A_13 = tpu.memref_slice %arg2[%dma_start3A, %dma_start3A_12] : memref<10000x128xf32, #tpu.memory_space<hbm>> -> memref<10000x128xf32, #tpu.memory_space<hbm>>
      tpu.enqueue_indirect_dma source(%dma_start3A_13 : memref<10000x128xf32, #tpu.memory_space<hbm>>) target(%arg6 : memref<400x128xf32, #tpu.memory_space<vmem>>) offsets(%arg5 : memref<400xi32, #tpu.memory_space<vmem>>) semaphore(%arg7 : memref<!tpu.dma_semaphore, #tpu.memory_space<semaphore_mem>>)
      %dma_wait3A = arith.constant 0 : i32
      %dma_wait3A_14 = arith.constant 0 : i32
      %dma_wait3A_15 = tpu.memref_slice %arg2[%dma_wait3A, %dma_wait3A_14] : memref<10000x128xf32, #tpu.memory_space<hbm>> -> memref<10000x128xf32, #tpu.memory_space<hbm>>
      tpu.wait_indirect_dma semaphore(%arg7 : memref<!tpu.dma_semaphore, #tpu.memory_space<semaphore_mem>>) src(%dma_wait3A_15 : memref<10000x128xf32, #tpu.memory_space<hbm>>) dst(%arg6 : memref<400x128xf32, #tpu.memory_space<vmem>>)
      "tpu.region"() ({
        %run_scoped3A = tpu.sem_alloc : memref<!tpu.dma_semaphore, #tpu.memory_space<semaphore_mem>>
        %dma_start3A_16 = arith.constant 0 : i32
        %dma_start3A_17 = tpu.memref_slice %arg4[%add3A_11, %dma_start3A_16] : memref<640000x128xf32, #tpu.memory_space<hbm>> -> memref<400x128xf32, #tpu.memory_space<hbm>>
        %dma_start3A_18 = arith.constant 0 : i32
        %dma_start3A_19 = tpu.memref_slice %arg4[%add3A_11, %dma_start3A_18] : memref<640000x128xf32, #tpu.memory_space<hbm>> -> memref<400x128xf32, #tpu.memory_space<hbm>>
        tpu.enqueue_dma source(%arg6 : memref<400x128xf32, #tpu.memory_space<vmem>>) target(%dma_start3A_19 : memref<400x128xf32, #tpu.memory_space<hbm>>) target_semaphore(%run_scoped3A : memref<!tpu.dma_semaphore, #tpu.memory_space<semaphore_mem>>)
        %dma_wait3A_20 = arith.constant 0 : i32
        %dma_wait3A_21 = tpu.memref_slice %arg4[%add3A_11, %dma_wait3A_20] : memref<640000x128xf32, #tpu.memory_space<hbm>> -> memref<400x128xf32, #tpu.memory_space<hbm>>
        %dma_wait3A_22 = arith.constant 0 : i32
        %dma_wait3A_23 = tpu.memref_slice %arg4[%add3A_11, %dma_wait3A_22] : memref<640000x128xf32, #tpu.memory_space<hbm>> -> memref<400x128xf32, #tpu.memory_space<hbm>>
        tpu.wait_dma2 semaphore(%run_scoped3A : memref<!tpu.dma_semaphore, #tpu.memory_space<semaphore_mem>>) src(%arg6 : memref<400x128xf32, #tpu.memory_space<vmem>>) dst(%dma_wait3A_23 : memref<400x128xf32, #tpu.memory_space<hbm>>)
        tpu.yield
      }) : () -> ()
    }
    %scan3A_7 = arith.constant 50 : i32
    return
  }
}

#map = affine_map<(d0, d1) -> (0)>
#map1 = affine_map<(d0, d1) -> (0, 0)>
module attributes {stable_mosaic.version = 14 : i64} {
  func.func @_count_body(%arg0: i32, %arg1: i32, %arg2: memref<320000xi32, #tpu.memory_space<hbm>>, %arg3: memref<10000x128xf32, #tpu.memory_space<hbm>>, %arg4: memref<80xi32, #tpu.memory_space<vmem>>, %arg5: memref<80x128xf32, #tpu.memory_space<vmem>>, %arg6: memref<24x128xf32, #tpu.memory_space<vmem>>, %arg7: memref<13x24xi32, #tpu.memory_space<vmem>>, %arg8: memref<16xi32, #tpu.memory_space<vmem>>, %arg9: memref<5008x128xf32, #tpu.memory_space<vmem_shared>>, %arg10: memref<!tpu.dma_semaphore, #tpu.memory_space<semaphore_mem>>) attributes {dimension_semantics = [#tpu.dimension_semantics<core_parallel>, #tpu.dimension_semantics<subcore_parallel>], iteration_bounds = array<i64: 2, 16>, scalar_prefetch = 0 : i64, scratch_operands = 7 : i64, tpu.core_type = #tpu.core_type<sc_vector_subcore>, window_params = [{transform_indices = #map}, {transform_indices = #map1}]} {
    %mul3A = arith.constant 5000 : i32
    %mul3A_0 = arith.muli %arg0, %mul3A : i32
    %scan3A = arith.constant 0 : i32
    %scan3A_1 = arith.constant 0 : i32
    %scan3A_2 = arith.constant 24 : i32
    %scan3A_3 = arith.addi %scan3A_1, %scan3A_2 : i32
    %scan3A_4 = arith.constant 1 : i32
    scf.for %scan3A_48 = %scan3A_1 to %scan3A_3 step %scan3A_4  : i32 {
      %scan3A_49 = arith.constant 0 : i32
      %scan3A_50 = arith.constant 0 : i32
      %scan3A_51 = arith.constant 8 : i32
      %scan3A_52 = arith.addi %scan3A_50, %scan3A_51 : i32
      %scan3A_53 = arith.constant 1 : i32
      scf.for %scan3A_55 = %scan3A_50 to %scan3A_52 step %scan3A_53  : i32 {
        %broadcast_in_dim3A = arith.constant 0.000000e+00 : f32
        %broadcast_in_dim3A_56 = vector.broadcast %broadcast_in_dim3A : f32 to vector<16xf32>
        %mul3A_57 = arith.constant 16 : i32
        %mul3A_58 = arith.muli %scan3A_55, %mul3A_57 : i32
        %swap3A = arith.index_cast %scan3A_48 : i32 to index
        %swap3A_59 = arith.index_cast %mul3A_58 : i32 to index
        %swap3A_60 = tpu.vector_load %arg6[%swap3A, %swap3A_59] {strides = array<i32>} : memref<24x128xf32, #tpu.memory_space<vmem>>, vector<1x16xf32>,
        %swap3A_61 = vector.shape_cast %swap3A_60 : vector<1x16xf32> to vector<16xf32>
        %swap3A_62 = vector.shape_cast %broadcast_in_dim3A_56 : vector<16xf32> to vector<1x16xf32>
        tpu.vector_store %arg6[%swap3A, %swap3A_59], %swap3A_62 {strides = array<i32>} : memref<24x128xf32, #tpu.memory_space<vmem>>, vector<1x16xf32>,
      }
      %scan3A_54 = arith.constant 8 : i32
    }
    %scan3A_5 = arith.constant 24 : i32
    %mul3A_6 = arith.constant 312 : i32
    %mul3A_7 = arith.muli %arg1, %mul3A_6 : i32
    %scan3A_8 = arith.constant 0 : i32
    %scan3A_9 = arith.constant 0 : i32
    %scan3A_10 = arith.constant 13 : i32
    %scan3A_11 = arith.addi %scan3A_9, %scan3A_10 : i32
    %scan3A_12 = arith.constant 1 : i32
    scf.for %scan3A_48 = %scan3A_9 to %scan3A_11 step %scan3A_12  : i32 {
      %mul3A_49 = arith.constant 24 : i32
      %mul3A_50 = arith.muli %scan3A_48, %mul3A_49 : i32
      %add3A = arith.addi %mul3A_7, %mul3A_50 : i32
      %iota3A = tpu.iota {dimensions = array<i32: 0>} : vector<16xi32>
      %add3A_51 = vector.broadcast %add3A : i32 to vector<16xi32>
      %add3A_52 = arith.addi %iota3A, %add3A_51 : vector<16xi32>
      %swap3A = arith.index_cast %scan3A_48 : i32 to index
      %swap3A_53 = arith.constant 0 : index
      %swap3A_54 = tpu.vector_load %arg7[%swap3A, %swap3A_53] {strides = array<i32>} : memref<13x24xi32, #tpu.memory_space<vmem>>, vector<1x16xi32>,
      %swap3A_55 = vector.shape_cast %swap3A_54 : vector<1x16xi32> to vector<16xi32>
      %swap3A_56 = vector.shape_cast %add3A_52 : vector<16xi32> to vector<1x16xi32>
      tpu.vector_store %arg7[%swap3A, %swap3A_53], %swap3A_56 {strides = array<i32>} : memref<13x24xi32, #tpu.memory_space<vmem>>, vector<1x16xi32>,
      %iota3A_57 = tpu.iota {dimensions = array<i32: 0>} : vector<16xi32>
      %add3A_58 = vector.broadcast %add3A : i32 to vector<16xi32>
      %add3A_59 = arith.addi %iota3A_57, %add3A_58 : vector<16xi32>
      %add3A_60 = arith.constant 24 : i32
      %add3A_61 = vector.broadcast %add3A_60 : i32 to vector<16xi32>
      %add3A_62 = arith.addi %add3A_59, %add3A_61 : vector<16xi32>
      %sub3A = arith.constant 16 : i32
      %sub3A_63 = vector.broadcast %sub3A : i32 to vector<16xi32>
      %sub3A_64 = arith.subi %add3A_62, %sub3A_63 : vector<16xi32>
      %swap3A_65 = arith.index_cast %scan3A_48 : i32 to index
      %swap3A_66 = arith.constant 8 : index
      %swap3A_67 = tpu.vector_load %arg7[%swap3A_65, %swap3A_66] {strides = array<i32>} : memref<13x24xi32, #tpu.memory_space<vmem>>, vector<1x16xi32>,
      %swap3A_68 = vector.shape_cast %swap3A_67 : vector<1x16xi32> to vector<16xi32>
      %swap3A_69 = vector.shape_cast %sub3A_64 : vector<16xi32> to vector<1x16xi32>
      tpu.vector_store %arg7[%swap3A_65, %swap3A_66], %swap3A_69 {strides = array<i32>} : memref<13x24xi32, #tpu.memory_space<vmem>>, vector<1x16xi32>,
    }
    %scan3A_13 = arith.constant 13 : i32
    %scan3A_14 = arith.constant 0 : i32
    %scan3A_15 = arith.constant 0 : i32
    %scan3A_16 = arith.constant 13 : i32
    %scan3A_17 = arith.addi %scan3A_15, %scan3A_16 : i32
    %scan3A_18 = arith.constant 1 : i32
    scf.for %scan3A_48 = %scan3A_15 to %scan3A_17 step %scan3A_18  : i32 {
      %dma_start3A = arith.constant 0 : i32
      %dma_start3A_49 = tpu.memref_slice %arg7[%scan3A_48, %dma_start3A] : memref<13x24xi32, #tpu.memory_space<vmem>> -> memref<1x24xi32, #tpu.memory_space<vmem>>
      %dma_start3A_50 = tpu.memref_squeeze %dma_start3A_49 : memref<1x24xi32, #tpu.memory_space<vmem>> -> memref<24xi32, #tpu.memory_space<vmem>>
      %dma_start3A_51 = arith.constant 0 : i32
      %dma_start3A_52 = arith.constant 0 : i32
      %dma_start3A_53 = tpu.memref_slice %arg9[%dma_start3A_51, %dma_start3A_52] : memref<5008x128xf32, #tpu.memory_space<vmem_shared>> -> memref<5008x128xf32, #tpu.memory_space<vmem_shared>>
      tpu.enqueue_indirect_dma source(%arg6 : memref<24x128xf32, #tpu.memory_space<vmem>>) target(%dma_start3A_53 : memref<5008x128xf32, #tpu.memory_space<vmem_shared>>) offsets(%dma_start3A_50 : memref<24xi32, #tpu.memory_space<vmem>>) semaphore(%arg10 : memref<!tpu.dma_semaphore, #tpu.memory_space<semaphore_mem>>)
      %dma_wait3A = arith.constant 0 : i32
      %dma_wait3A_54 = tpu.memref_slice %arg7[%scan3A_48, %dma_wait3A] : memref<13x24xi32, #tpu.memory_space<vmem>> -> memref<1x24xi32, #tpu.memory_space<vmem>>
      %dma_wait3A_55 = tpu.memref_squeeze %dma_wait3A_54 : memref<1x24xi32, #tpu.memory_space<vmem>> -> memref<24xi32, #tpu.memory_space<vmem>>
      %dma_wait3A_56 = arith.constant 0 : i32
      %dma_wait3A_57 = arith.constant 0 : i32
      %dma_wait3A_58 = tpu.memref_slice %arg9[%dma_wait3A_56, %dma_wait3A_57] : memref<5008x128xf32, #tpu.memory_space<vmem_shared>> -> memref<5008x128xf32, #tpu.memory_space<vmem_shared>>
      tpu.wait_indirect_dma semaphore(%arg10 : memref<!tpu.dma_semaphore, #tpu.memory_space<semaphore_mem>>) src(%arg6 : memref<24x128xf32, #tpu.memory_space<vmem>>) dst(%dma_wait3A_58 : memref<5008x128xf32, #tpu.memory_space<vmem_shared>>)
    }
    %scan3A_19 = arith.constant 13 : i32
    %eq3A = arith.constant 15 : i32
    %eq3A_20 = arith.cmpi eq, %arg1, %eq3A : i32
    %convert_element_type3A = arith.extui %eq3A_20 : i1 to i32
    %cond3A = arith.constant 0 : i32
    %cond3A_21 = arith.cmpi ne, %convert_element_type3A, %cond3A : i32
    scf.if %cond3A_21 {
      %scan3A_48 = arith.constant 0 : i32
      %scan3A_49 = arith.constant 0 : i32
      %iota3A = tpu.iota {dimensions = array<i32: 0>} : vector<16xi32>
      %add3A = arith.constant 4992 : i32
      %add3A_50 = vector.broadcast %add3A : i32 to vector<16xi32>
      %add3A_51 = arith.addi %iota3A, %add3A_50 : vector<16xi32>
      %mul3A_52 = arith.constant 16 : i32
      %mul3A_53 = arith.muli %scan3A_49, %mul3A_52 : i32
      %add3A_54 = vector.broadcast %mul3A_53 : i32 to vector<16xi32>
      %add3A_55 = arith.addi %add3A_51, %add3A_54 : vector<16xi32>
      %mul3A_56 = arith.constant 16 : i32
      %mul3A_57 = arith.muli %scan3A_49, %mul3A_56 : i32
      %swap3A = arith.index_cast %mul3A_57 : i32 to index
      %swap3A_58 = tpu.vector_load %arg8[%swap3A] {strides = array<i32>} : memref<16xi32, #tpu.memory_space<vmem>>, vector<16xi32>,
      %swap3A_59 = vector.shape_cast %swap3A_58 : vector<16xi32> to vector<16xi32>
      %swap3A_60 = vector.shape_cast %add3A_55 : vector<16xi32> to vector<16xi32>
      tpu.vector_store %arg8[%swap3A], %swap3A_60 {strides = array<i32>} : memref<16xi32, #tpu.memory_space<vmem>>, vector<16xi32>,
      %scan3A_61 = arith.constant 1 : i32
      %iota3A_62 = tpu.iota {dimensions = array<i32: 0>} : vector<16xi32>
      %add3A_63 = arith.constant 4992 : i32
      %add3A_64 = vector.broadcast %add3A_63 : i32 to vector<16xi32>
      %add3A_65 = arith.addi %iota3A_62, %add3A_64 : vector<16xi32>
      %add3A_66 = arith.constant 16 : i32
      %add3A_67 = vector.broadcast %add3A_66 : i32 to vector<16xi32>
      %add3A_68 = arith.addi %add3A_65, %add3A_67 : vector<16xi32>
      %sub3A = arith.constant 16 : i32
      %sub3A_69 = vector.broadcast %sub3A : i32 to vector<16xi32>
      %sub3A_70 = arith.subi %add3A_68, %sub3A_69 : vector<16xi32>
      %swap3A_71 = arith.constant 0 : index
      %swap3A_72 = tpu.vector_load %arg8[%swap3A_71] {strides = array<i32>} : memref<16xi32, #tpu.memory_space<vmem>>, vector<16xi32>,
      %swap3A_73 = vector.shape_cast %swap3A_72 : vector<16xi32> to vector<16xi32>
      %swap3A_74 = vector.shape_cast %sub3A_70 : vector<16xi32> to vector<16xi32>
      tpu.vector_store %arg8[%swap3A_71], %swap3A_74 {strides = array<i32>} : memref<16xi32, #tpu.memory_space<vmem>>, vector<16xi32>,
      %dma_start3A = arith.constant 0 : i32
      %dma_start3A_75 = arith.constant 0 : i32
      %dma_start3A_76 = tpu.memref_slice %arg6[%dma_start3A, %dma_start3A_75] : memref<24x128xf32, #tpu.memory_space<vmem>> -> memref<16x128xf32, #tpu.memory_space<vmem>>
      %dma_start3A_77 = arith.constant 0 : i32
      %dma_start3A_78 = arith.constant 0 : i32
      %dma_start3A_79 = tpu.memref_slice %arg9[%dma_start3A_77, %dma_start3A_78] : memref<5008x128xf32, #tpu.memory_space<vmem_shared>> -> memref<5008x128xf32, #tpu.memory_space<vmem_shared>>
      tpu.enqueue_indirect_dma source(%dma_start3A_76 : memref<16x128xf32, #tpu.memory_space<vmem>>) target(%dma_start3A_79 : memref<5008x128xf32, #tpu.memory_space<vmem_shared>>) offsets(%arg8 : memref<16xi32, #tpu.memory_space<vmem>>) semaphore(%arg10 : memref<!tpu.dma_semaphore, #tpu.memory_space<semaphore_mem>>)
      %dma_wait3A = arith.constant 0 : i32
      %dma_wait3A_80 = arith.constant 0 : i32
      %dma_wait3A_81 = tpu.memref_slice %arg6[%dma_wait3A, %dma_wait3A_80] : memref<24x128xf32, #tpu.memory_space<vmem>> -> memref<16x128xf32, #tpu.memory_space<vmem>>
      %dma_wait3A_82 = arith.constant 0 : i32
      %dma_wait3A_83 = arith.constant 0 : i32
      %dma_wait3A_84 = tpu.memref_slice %arg9[%dma_wait3A_82, %dma_wait3A_83] : memref<5008x128xf32, #tpu.memory_space<vmem_shared>> -> memref<5008x128xf32, #tpu.memory_space<vmem_shared>>
      tpu.wait_indirect_dma semaphore(%arg10 : memref<!tpu.dma_semaphore, #tpu.memory_space<semaphore_mem>>) src(%dma_wait3A_81 : memref<16x128xf32, #tpu.memory_space<vmem>>) dst(%dma_wait3A_84 : memref<5008x128xf32, #tpu.memory_space<vmem_shared>>)
    } else {
    }
    %scan3A_22 = arith.constant 0 : i32
    %scan3A_23 = arith.constant 0 : i32
    %scan3A_24 = arith.constant 80 : i32
    %scan3A_25 = arith.addi %scan3A_23, %scan3A_24 : i32
    %scan3A_26 = arith.constant 1 : i32
    scf.for %scan3A_48 = %scan3A_23 to %scan3A_25 step %scan3A_26  : i32 {
      %scan3A_49 = arith.constant 0 : i32
      %scan3A_50 = arith.constant 0 : i32
      %scan3A_51 = arith.constant 8 : i32
      %scan3A_52 = arith.addi %scan3A_50, %scan3A_51 : i32
      %scan3A_53 = arith.constant 1 : i32
      scf.for %scan3A_55 = %scan3A_50 to %scan3A_52 step %scan3A_53  : i32 {
        %broadcast_in_dim3A = arith.constant 1.000000e+00 : f32
        %broadcast_in_dim3A_56 = vector.broadcast %broadcast_in_dim3A : f32 to vector<16xf32>
        %mul3A_57 = arith.constant 16 : i32
        %mul3A_58 = arith.muli %scan3A_55, %mul3A_57 : i32
        %swap3A = arith.index_cast %scan3A_48 : i32 to index
        %swap3A_59 = arith.index_cast %mul3A_58 : i32 to index
        %swap3A_60 = tpu.vector_load %arg5[%swap3A, %swap3A_59] {strides = array<i32>} : memref<80x128xf32, #tpu.memory_space<vmem>>, vector<1x16xf32>,
        %swap3A_61 = vector.shape_cast %swap3A_60 : vector<1x16xf32> to vector<16xf32>
        %swap3A_62 = vector.shape_cast %broadcast_in_dim3A_56 : vector<16xf32> to vector<1x16xf32>
        tpu.vector_store %arg5[%swap3A, %swap3A_59], %swap3A_62 {strides = array<i32>} : memref<80x128xf32, #tpu.memory_space<vmem>>, vector<1x16xf32>,
      }
      %scan3A_54 = arith.constant 8 : i32
    }
    %scan3A_27 = arith.constant 80 : i32
    %barrier3A = arith.constant 0 : index
    tpu.barrier barrier_id(%barrier3A)
    %scan3A_28 = arith.constant 0 : i32
    %scan3A_29 = arith.constant 0 : i32
    %scan3A_30 = arith.constant 250 : i32
    %scan3A_31 = arith.addi %scan3A_29, %scan3A_30 : i32
    %scan3A_32 = arith.constant 1 : i32
    scf.for %scan3A_48 = %scan3A_29 to %scan3A_31 step %scan3A_32  : i32 {
      %mul3A_49 = arith.constant 20000 : i32
      %mul3A_50 = arith.muli %arg1, %mul3A_49 : i32
      %mul3A_51 = arith.constant 80 : i32
      %mul3A_52 = arith.muli %scan3A_48, %mul3A_51 : i32
      %add3A = arith.addi %mul3A_50, %mul3A_52 : i32
      "tpu.region"() ({
        %run_scoped3A = tpu.sem_alloc : memref<!tpu.dma_semaphore, #tpu.memory_space<semaphore_mem>>
        %dma_start3A_63 = tpu.memref_slice %arg2[%add3A] : memref<320000xi32, #tpu.memory_space<hbm>> -> memref<80xi32, #tpu.memory_space<hbm>>
        %dma_start3A_64 = tpu.memref_slice %arg2[%add3A] : memref<320000xi32, #tpu.memory_space<hbm>> -> memref<80xi32, #tpu.memory_space<hbm>>
        tpu.enqueue_dma source(%dma_start3A_64 : memref<80xi32, #tpu.memory_space<hbm>>) target(%arg4 : memref<80xi32, #tpu.memory_space<vmem>>) target_semaphore(%run_scoped3A : memref<!tpu.dma_semaphore, #tpu.memory_space<semaphore_mem>>)
        %dma_wait3A_65 = tpu.memref_slice %arg2[%add3A] : memref<320000xi32, #tpu.memory_space<hbm>> -> memref<80xi32, #tpu.memory_space<hbm>>
        %dma_wait3A_66 = tpu.memref_slice %arg2[%add3A] : memref<320000xi32, #tpu.memory_space<hbm>> -> memref<80xi32, #tpu.memory_space<hbm>>
        tpu.wait_dma2 semaphore(%run_scoped3A : memref<!tpu.dma_semaphore, #tpu.memory_space<semaphore_mem>>) src(%dma_wait3A_66 : memref<80xi32, #tpu.memory_space<hbm>>) dst(%arg4 : memref<80xi32, #tpu.memory_space<vmem>>)
        tpu.yield
      }) : () -> ()
      %scan3A_53 = arith.constant 0 : i32
      %scan3A_54 = arith.constant 0 : i32
      %scan3A_55 = arith.constant 5 : i32
      %scan3A_56 = arith.addi %scan3A_54, %scan3A_55 : i32
      %scan3A_57 = arith.constant 1 : i32
      scf.for %scan3A_63 = %scan3A_54 to %scan3A_56 step %scan3A_57  : i32 {
        %mul3A_64 = arith.constant 16 : i32
        %mul3A_65 = arith.muli %scan3A_63, %mul3A_64 : i32
        %get3A = arith.index_cast %mul3A_65 : i32 to index
        %get3A_66 = tpu.vector_load %arg4[%get3A] {strides = array<i32>} : memref<80xi32, #tpu.memory_space<vmem>>, vector<16xi32>,
        %get3A_67 = vector.shape_cast %get3A_66 : vector<16xi32> to vector<16xi32>
        %sub3A = vector.broadcast %mul3A_0 : i32 to vector<16xi32>
        %sub3A_68 = arith.subi %get3A_67, %sub3A : vector<16xi32>
        %ge3A = arith.constant 0 : i32
        %ge3A_69 = vector.broadcast %ge3A : i32 to vector<16xi32>
        %ge3A_70 = arith.cmpi sge, %sub3A_68, %ge3A_69 : vector<16xi32>
        %lt3A = arith.constant 5000 : i32
        %lt3A_71 = vector.broadcast %lt3A : i32 to vector<16xi32>
        %lt3A_72 = arith.cmpi slt, %sub3A_68, %lt3A_71 : vector<16xi32>
        %and3A = arith.andi %ge3A_70, %lt3A_72 : vector<16xi1>
        %jit3A = arith.constant 5000 : i32
        %broadcast_in_dim3A = vector.broadcast %jit3A : i32 to vector<16xi32>
        %select_n3A = arith.select %and3A, %sub3A_68, %broadcast_in_dim3A : vector<16xi1>, vector<16xi32>
        %mul3A_73 = arith.constant 16 : i32
        %mul3A_74 = arith.muli %scan3A_63, %mul3A_73 : i32
        %swap3A = arith.index_cast %mul3A_74 : i32 to index
        %swap3A_75 = tpu.vector_load %arg4[%swap3A] {strides = array<i32>} : memref<80xi32, #tpu.memory_space<vmem>>, vector<16xi32>,
        %swap3A_76 = vector.shape_cast %swap3A_75 : vector<16xi32> to vector<16xi32>
        %swap3A_77 = vector.shape_cast %select_n3A : vector<16xi32> to vector<16xi32>
        tpu.vector_store %arg4[%swap3A], %swap3A_77 {strides = array<i32>} : memref<80xi32, #tpu.memory_space<vmem>>, vector<16xi32>,
      }
      %scan3A_58 = arith.constant 5 : i32
      %dma_start3A = arith.constant 0 : i32
      %dma_start3A_59 = arith.constant 0 : i32
      %dma_start3A_60 = tpu.memref_slice %arg9[%dma_start3A, %dma_start3A_59] : memref<5008x128xf32, #tpu.memory_space<vmem_shared>> -> memref<5008x128xf32, #tpu.memory_space<vmem_shared>>
      tpu.enqueue_indirect_dma source(%arg5 : memref<80x128xf32, #tpu.memory_space<vmem>>) target(%dma_start3A_60 : memref<5008x128xf32, #tpu.memory_space<vmem_shared>>) offsets(%arg4 : memref<80xi32, #tpu.memory_space<vmem>>) semaphore(%arg10 : memref<!tpu.dma_semaphore, #tpu.memory_space<semaphore_mem>>) {add = true}
      %dma_wait3A = arith.constant 0 : i32
      %dma_wait3A_61 = arith.constant 0 : i32
      %dma_wait3A_62 = tpu.memref_slice %arg9[%dma_wait3A, %dma_wait3A_61] : memref<5008x128xf32, #tpu.memory_space<vmem_shared>> -> memref<5008x128xf32, #tpu.memory_space<vmem_shared>>
      tpu.wait_indirect_dma semaphore(%arg10 : memref<!tpu.dma_semaphore, #tpu.memory_space<semaphore_mem>>) src(%arg5 : memref<80x128xf32, #tpu.memory_space<vmem>>) dst(%dma_wait3A_62 : memref<5008x128xf32, #tpu.memory_space<vmem_shared>>)
    }
    %scan3A_33 = arith.constant 250 : i32
    %barrier3A_34 = arith.constant 0 : index
    tpu.barrier barrier_id(%barrier3A_34)
    %mul3A_35 = arith.constant 312 : i32
    %mul3A_36 = arith.muli %arg1, %mul3A_35 : i32
    %scan3A_37 = arith.constant 0 : i32
    %scan3A_38 = arith.constant 0 : i32
    %scan3A_39 = arith.constant 13 : i32
    %scan3A_40 = arith.addi %scan3A_38, %scan3A_39 : i32
    %scan3A_41 = arith.constant 1 : i32
    scf.for %scan3A_48 = %scan3A_38 to %scan3A_40 step %scan3A_41  : i32 {
      %dma_start3A = arith.constant 0 : i32
      %dma_start3A_49 = tpu.memref_slice %arg7[%scan3A_48, %dma_start3A] : memref<13x24xi32, #tpu.memory_space<vmem>> -> memref<1x24xi32, #tpu.memory_space<vmem>>
      %dma_start3A_50 = tpu.memref_squeeze %dma_start3A_49 : memref<1x24xi32, #tpu.memory_space<vmem>> -> memref<24xi32, #tpu.memory_space<vmem>>
      %dma_start3A_51 = arith.constant 0 : i32
      %dma_start3A_52 = arith.constant 0 : i32
      %dma_start3A_53 = tpu.memref_slice %arg9[%dma_start3A_51, %dma_start3A_52] : memref<5008x128xf32, #tpu.memory_space<vmem_shared>> -> memref<5008x128xf32, #tpu.memory_space<vmem_shared>>
      tpu.enqueue_indirect_dma source(%dma_start3A_53 : memref<5008x128xf32, #tpu.memory_space<vmem_shared>>) target(%arg6 : memref<24x128xf32, #tpu.memory_space<vmem>>) offsets(%dma_start3A_50 : memref<24xi32, #tpu.memory_space<vmem>>) semaphore(%arg10 : memref<!tpu.dma_semaphore, #tpu.memory_space<semaphore_mem>>)
      %dma_wait3A = arith.constant 0 : i32
      %dma_wait3A_54 = tpu.memref_slice %arg7[%scan3A_48, %dma_wait3A] : memref<13x24xi32, #tpu.memory_space<vmem>> -> memref<1x24xi32, #tpu.memory_space<vmem>>
      %dma_wait3A_55 = tpu.memref_squeeze %dma_wait3A_54 : memref<1x24xi32, #tpu.memory_space<vmem>> -> memref<24xi32, #tpu.memory_space<vmem>>
      %dma_wait3A_56 = arith.constant 0 : i32
      %dma_wait3A_57 = arith.constant 0 : i32
      %dma_wait3A_58 = tpu.memref_slice %arg9[%dma_wait3A_56, %dma_wait3A_57] : memref<5008x128xf32, #tpu.memory_space<vmem_shared>> -> memref<5008x128xf32, #tpu.memory_space<vmem_shared>>
      tpu.wait_indirect_dma semaphore(%arg10 : memref<!tpu.dma_semaphore, #tpu.memory_space<semaphore_mem>>) src(%dma_wait3A_58 : memref<5008x128xf32, #tpu.memory_space<vmem_shared>>) dst(%arg6 : memref<24x128xf32, #tpu.memory_space<vmem>>)
      %add3A = arith.addi %mul3A_0, %mul3A_36 : i32
      %mul3A_59 = arith.constant 24 : i32
      %mul3A_60 = arith.muli %scan3A_48, %mul3A_59 : i32
      %add3A_61 = arith.addi %add3A, %mul3A_60 : i32
      "tpu.region"() ({
        %run_scoped3A = tpu.sem_alloc : memref<!tpu.dma_semaphore, #tpu.memory_space<semaphore_mem>>
        %dma_start3A_62 = arith.constant 0 : i32
        %dma_start3A_63 = tpu.memref_slice %arg3[%add3A_61, %dma_start3A_62] : memref<10000x128xf32, #tpu.memory_space<hbm>> -> memref<24x128xf32, #tpu.memory_space<hbm>>
        %dma_start3A_64 = arith.constant 0 : i32
        %dma_start3A_65 = tpu.memref_slice %arg3[%add3A_61, %dma_start3A_64] : memref<10000x128xf32, #tpu.memory_space<hbm>> -> memref<24x128xf32, #tpu.memory_space<hbm>>
        tpu.enqueue_dma source(%arg6 : memref<24x128xf32, #tpu.memory_space<vmem>>) target(%dma_start3A_65 : memref<24x128xf32, #tpu.memory_space<hbm>>) target_semaphore(%run_scoped3A : memref<!tpu.dma_semaphore, #tpu.memory_space<semaphore_mem>>)
        %dma_wait3A_66 = arith.constant 0 : i32
        %dma_wait3A_67 = tpu.memref_slice %arg3[%add3A_61, %dma_wait3A_66] : memref<10000x128xf32, #tpu.memory_space<hbm>> -> memref<24x128xf32, #tpu.memory_space<hbm>>
        %dma_wait3A_68 = arith.constant 0 : i32
        %dma_wait3A_69 = tpu.memref_slice %arg3[%add3A_61, %dma_wait3A_68] : memref<10000x128xf32, #tpu.memory_space<hbm>> -> memref<24x128xf32, #tpu.memory_space<hbm>>
        tpu.wait_dma2 semaphore(%run_scoped3A : memref<!tpu.dma_semaphore, #tpu.memory_space<semaphore_mem>>) src(%arg6 : memref<24x128xf32, #tpu.memory_space<vmem>>) dst(%dma_wait3A_69 : memref<24x128xf32, #tpu.memory_space<hbm>>)
        tpu.yield
      }) : () -> ()
    }
    %scan3A_42 = arith.constant 13 : i32
    %eq3A_43 = arith.constant 15 : i32
    %eq3A_44 = arith.cmpi eq, %arg1, %eq3A_43 : i32
    %convert_element_type3A_45 = arith.extui %eq3A_44 : i1 to i32
    %cond3A_46 = arith.constant 0 : i32
    %cond3A_47 = arith.cmpi ne, %convert_element_type3A_45, %cond3A_46 : i32
    scf.if %cond3A_47 {
      %scan3A_48 = arith.constant 0 : i32
      %scan3A_49 = arith.constant 0 : i32
      %iota3A = tpu.iota {dimensions = array<i32: 0>} : vector<16xi32>
      %add3A = arith.constant 4984 : i32
      %add3A_50 = vector.broadcast %add3A : i32 to vector<16xi32>
      %add3A_51 = arith.addi %iota3A, %add3A_50 : vector<16xi32>
      %mul3A_52 = arith.constant 16 : i32
      %mul3A_53 = arith.muli %scan3A_49, %mul3A_52 : i32
      %add3A_54 = vector.broadcast %mul3A_53 : i32 to vector<16xi32>
      %add3A_55 = arith.addi %add3A_51, %add3A_54 : vector<16xi32>
      %mul3A_56 = arith.constant 16 : i32
      %mul3A_57 = arith.muli %scan3A_49, %mul3A_56 : i32
      %swap3A = arith.index_cast %mul3A_57 : i32 to index
      %swap3A_58 = tpu.vector_load %arg8[%swap3A] {strides = array<i32>} : memref<16xi32, #tpu.memory_space<vmem>>, vector<16xi32>,
      %swap3A_59 = vector.shape_cast %swap3A_58 : vector<16xi32> to vector<16xi32>
      %swap3A_60 = vector.shape_cast %add3A_55 : vector<16xi32> to vector<16xi32>
      tpu.vector_store %arg8[%swap3A], %swap3A_60 {strides = array<i32>} : memref<16xi32, #tpu.memory_space<vmem>>, vector<16xi32>,
      %scan3A_61 = arith.constant 1 : i32
      %iota3A_62 = tpu.iota {dimensions = array<i32: 0>} : vector<16xi32>
      %add3A_63 = arith.constant 4984 : i32
      %add3A_64 = vector.broadcast %add3A_63 : i32 to vector<16xi32>
      %add3A_65 = arith.addi %iota3A_62, %add3A_64 : vector<16xi32>
      %add3A_66 = arith.constant 16 : i32
      %add3A_67 = vector.broadcast %add3A_66 : i32 to vector<16xi32>
      %add3A_68 = arith.addi %add3A_65, %add3A_67 : vector<16xi32>
      %sub3A = arith.constant 16 : i32
      %sub3A_69 = vector.broadcast %sub3A : i32 to vector<16xi32>
      %sub3A_70 = arith.subi %add3A_68, %sub3A_69 : vector<16xi32>
      %swap3A_71 = arith.constant 0 : index
      %swap3A_72 = tpu.vector_load %arg8[%swap3A_71] {strides = array<i32>} : memref<16xi32, #tpu.memory_space<vmem>>, vector<16xi32>,
      %swap3A_73 = vector.shape_cast %swap3A_72 : vector<16xi32> to vector<16xi32>
      %swap3A_74 = vector.shape_cast %sub3A_70 : vector<16xi32> to vector<16xi32>
      tpu.vector_store %arg8[%swap3A_71], %swap3A_74 {strides = array<i32>} : memref<16xi32, #tpu.memory_space<vmem>>, vector<16xi32>,
      %dma_start3A = arith.constant 0 : i32
      %dma_start3A_75 = arith.constant 0 : i32
      %dma_start3A_76 = tpu.memref_slice %arg6[%dma_start3A, %dma_start3A_75] : memref<24x128xf32, #tpu.memory_space<vmem>> -> memref<16x128xf32, #tpu.memory_space<vmem>>
      %dma_start3A_77 = arith.constant 0 : i32
      %dma_start3A_78 = arith.constant 0 : i32
      %dma_start3A_79 = tpu.memref_slice %arg9[%dma_start3A_77, %dma_start3A_78] : memref<5008x128xf32, #tpu.memory_space<vmem_shared>> -> memref<5008x128xf32, #tpu.memory_space<vmem_shared>>
      tpu.enqueue_indirect_dma source(%dma_start3A_79 : memref<5008x128xf32, #tpu.memory_space<vmem_shared>>) target(%dma_start3A_76 : memref<16x128xf32, #tpu.memory_space<vmem>>) offsets(%arg8 : memref<16xi32, #tpu.memory_space<vmem>>) semaphore(%arg10 : memref<!tpu.dma_semaphore, #tpu.memory_space<semaphore_mem>>)
      %dma_wait3A = arith.constant 0 : i32
      %dma_wait3A_80 = arith.constant 0 : i32
      %dma_wait3A_81 = tpu.memref_slice %arg6[%dma_wait3A, %dma_wait3A_80] : memref<24x128xf32, #tpu.memory_space<vmem>> -> memref<16x128xf32, #tpu.memory_space<vmem>>
      %dma_wait3A_82 = arith.constant 0 : i32
      %dma_wait3A_83 = arith.constant 0 : i32
      %dma_wait3A_84 = tpu.memref_slice %arg9[%dma_wait3A_82, %dma_wait3A_83] : memref<5008x128xf32, #tpu.memory_space<vmem_shared>> -> memref<5008x128xf32, #tpu.memory_space<vmem_shared>>
      tpu.wait_indirect_dma semaphore(%arg10 : memref<!tpu.dma_semaphore, #tpu.memory_space<semaphore_mem>>) src(%dma_wait3A_84 : memref<5008x128xf32, #tpu.memory_space<vmem_shared>>) dst(%dma_wait3A_81 : memref<16x128xf32, #tpu.memory_space<vmem>>)
      %add3A_85 = arith.constant 5000 : i32
      %add3A_86 = arith.addi %mul3A_0, %add3A_85 : i32
      %sub3A_87 = arith.constant 16 : i32
      %sub3A_88 = arith.subi %add3A_86, %sub3A_87 : i32
      "tpu.region"() ({
        %run_scoped3A = tpu.sem_alloc : memref<!tpu.dma_semaphore, #tpu.memory_space<semaphore_mem>>
        %dma_start3A_89 = arith.constant 0 : i32
        %dma_start3A_90 = arith.constant 0 : i32
        %dma_start3A_91 = tpu.memref_slice %arg6[%dma_start3A_89, %dma_start3A_90] : memref<24x128xf32, #tpu.memory_space<vmem>> -> memref<16x128xf32, #tpu.memory_space<vmem>>
        %dma_start3A_92 = arith.constant 0 : i32
        %dma_start3A_93 = tpu.memref_slice %arg3[%sub3A_88, %dma_start3A_92] : memref<10000x128xf32, #tpu.memory_space<hbm>> -> memref<16x128xf32, #tpu.memory_space<hbm>>
        %dma_start3A_94 = arith.constant 0 : i32
        %dma_start3A_95 = tpu.memref_slice %arg3[%sub3A_88, %dma_start3A_94] : memref<10000x128xf32, #tpu.memory_space<hbm>> -> memref<16x128xf32, #tpu.memory_space<hbm>>
        %dma_start3A_96 = arith.constant 0 : i32
        %dma_start3A_97 = arith.constant 0 : i32
        %dma_start3A_98 = tpu.memref_slice %arg6[%dma_start3A_96, %dma_start3A_97] : memref<24x128xf32, #tpu.memory_space<vmem>> -> memref<16x128xf32, #tpu.memory_space<vmem>>
        tpu.enqueue_dma source(%dma_start3A_98 : memref<16x128xf32, #tpu.memory_space<vmem>>) target(%dma_start3A_95 : memref<16x128xf32, #tpu.memory_space<hbm>>) target_semaphore(%run_scoped3A : memref<!tpu.dma_semaphore, #tpu.memory_space<semaphore_mem>>)
        %dma_wait3A_99 = arith.constant 0 : i32
        %dma_wait3A_100 = arith.constant 0 : i32
        %dma_wait3A_101 = tpu.memref_slice %arg6[%dma_wait3A_99, %dma_wait3A_100] : memref<24x128xf32, #tpu.memory_space<vmem>> -> memref<16x128xf32, #tpu.memory_space<vmem>>
        %dma_wait3A_102 = arith.constant 0 : i32
        %dma_wait3A_103 = tpu.memref_slice %arg3[%sub3A_88, %dma_wait3A_102] : memref<10000x128xf32, #tpu.memory_space<hbm>> -> memref<16x128xf32, #tpu.memory_space<hbm>>
        %dma_wait3A_104 = arith.constant 0 : i32
        %dma_wait3A_105 = tpu.memref_slice %arg3[%sub3A_88, %dma_wait3A_104] : memref<10000x128xf32, #tpu.memory_space<hbm>> -> memref<16x128xf32, #tpu.memory_space<hbm>>
        %dma_wait3A_106 = arith.constant 0 : i32
        %dma_wait3A_107 = arith.constant 0 : i32
        %dma_wait3A_108 = tpu.memref_slice %arg6[%dma_wait3A_106, %dma_wait3A_107] : memref<24x128xf32, #tpu.memory_space<vmem>> -> memref<16x128xf32, #tpu.memory_space<vmem>>
        tpu.wait_dma2 semaphore(%run_scoped3A : memref<!tpu.dma_semaphore, #tpu.memory_space<semaphore_mem>>) src(%dma_wait3A_108 : memref<16x128xf32, #tpu.memory_space<vmem>>) dst(%dma_wait3A_105 : memref<16x128xf32, #tpu.memory_space<hbm>>)
        tpu.yield
      }) : () -> ()
    } else {
    }
    return
  }
}

#map = affine_map<(d0, d1) -> (0, 0)>
#map1 = affine_map<(d0, d1) -> (0)>
module attributes {stable_mosaic.version = 14 : i64} {
  func.func @_scatter_body(%arg0: i32, %arg1: i32, %arg2: memref<320000x128xf32, #tpu.memory_space<hbm>>, %arg3: memref<320000xi32, #tpu.memory_space<hbm>>, %arg4: memref<10000x128xf32, #tpu.memory_space<hbm>>, %arg5: memref<80x128xf32, #tpu.memory_space<vmem>>, %arg6: memref<80xi32, #tpu.memory_space<vmem>>, %arg7: memref<24x128xf32, #tpu.memory_space<vmem>>, %arg8: memref<13x24xi32, #tpu.memory_space<vmem>>, %arg9: memref<16xi32, #tpu.memory_space<vmem>>, %arg10: memref<5008x128xf32, #tpu.memory_space<vmem_shared>>, %arg11: memref<!tpu.dma_semaphore, #tpu.memory_space<semaphore_mem>>) attributes {dimension_semantics = [#tpu.dimension_semantics<core_parallel>, #tpu.dimension_semantics<subcore_parallel>], iteration_bounds = array<i64: 2, 16>, scalar_prefetch = 0 : i64, scratch_operands = 7 : i64, tpu.core_type = #tpu.core_type<sc_vector_subcore>, window_params = [{transform_indices = #map}, {transform_indices = #map1}, {transform_indices = #map}]} {
    %mul3A = arith.constant 20000 : i32
    %mul3A_0 = arith.muli %arg1, %mul3A : i32
    %mul3A_1 = arith.constant 5000 : i32
    %mul3A_2 = arith.muli %arg0, %mul3A_1 : i32
    %scan3A = arith.constant 0 : i32
    %scan3A_3 = arith.constant 0 : i32
    %scan3A_4 = arith.constant 24 : i32
    %scan3A_5 = arith.addi %scan3A_3, %scan3A_4 : i32
    %scan3A_6 = arith.constant 1 : i32
    scf.for %scan3A_44 = %scan3A_3 to %scan3A_5 step %scan3A_6  : i32 {
      %scan3A_45 = arith.constant 0 : i32
      %scan3A_46 = arith.constant 0 : i32
      %scan3A_47 = arith.constant 8 : i32
      %scan3A_48 = arith.addi %scan3A_46, %scan3A_47 : i32
      %scan3A_49 = arith.constant 1 : i32
      scf.for %scan3A_51 = %scan3A_46 to %scan3A_48 step %scan3A_49  : i32 {
        %broadcast_in_dim3A = arith.constant 0.000000e+00 : f32
        %broadcast_in_dim3A_52 = vector.broadcast %broadcast_in_dim3A : f32 to vector<16xf32>
        %mul3A_53 = arith.constant 16 : i32
        %mul3A_54 = arith.muli %scan3A_51, %mul3A_53 : i32
        %swap3A = arith.index_cast %scan3A_44 : i32 to index
        %swap3A_55 = arith.index_cast %mul3A_54 : i32 to index
        %swap3A_56 = tpu.vector_load %arg7[%swap3A, %swap3A_55] {strides = array<i32>} : memref<24x128xf32, #tpu.memory_space<vmem>>, vector<1x16xf32>,
        %swap3A_57 = vector.shape_cast %swap3A_56 : vector<1x16xf32> to vector<16xf32>
        %swap3A_58 = vector.shape_cast %broadcast_in_dim3A_52 : vector<16xf32> to vector<1x16xf32>
        tpu.vector_store %arg7[%swap3A, %swap3A_55], %swap3A_58 {strides = array<i32>} : memref<24x128xf32, #tpu.memory_space<vmem>>, vector<1x16xf32>,
      }
      %scan3A_50 = arith.constant 8 : i32
    }
    %scan3A_7 = arith.constant 24 : i32
    %mul3A_8 = arith.constant 312 : i32
    %mul3A_9 = arith.muli %arg1, %mul3A_8 : i32
    %scan3A_10 = arith.constant 0 : i32
    %scan3A_11 = arith.constant 0 : i32
    %scan3A_12 = arith.constant 13 : i32
    %scan3A_13 = arith.addi %scan3A_11, %scan3A_12 : i32
    %scan3A_14 = arith.constant 1 : i32
    scf.for %scan3A_44 = %scan3A_11 to %scan3A_13 step %scan3A_14  : i32 {
      %mul3A_45 = arith.constant 24 : i32
      %mul3A_46 = arith.muli %scan3A_44, %mul3A_45 : i32
      %add3A = arith.addi %mul3A_9, %mul3A_46 : i32
      %iota3A = tpu.iota {dimensions = array<i32: 0>} : vector<16xi32>
      %add3A_47 = vector.broadcast %add3A : i32 to vector<16xi32>
      %add3A_48 = arith.addi %iota3A, %add3A_47 : vector<16xi32>
      %swap3A = arith.index_cast %scan3A_44 : i32 to index
      %swap3A_49 = arith.constant 0 : index
      %swap3A_50 = tpu.vector_load %arg8[%swap3A, %swap3A_49] {strides = array<i32>} : memref<13x24xi32, #tpu.memory_space<vmem>>, vector<1x16xi32>,
      %swap3A_51 = vector.shape_cast %swap3A_50 : vector<1x16xi32> to vector<16xi32>
      %swap3A_52 = vector.shape_cast %add3A_48 : vector<16xi32> to vector<1x16xi32>
      tpu.vector_store %arg8[%swap3A, %swap3A_49], %swap3A_52 {strides = array<i32>} : memref<13x24xi32, #tpu.memory_space<vmem>>, vector<1x16xi32>,
      %iota3A_53 = tpu.iota {dimensions = array<i32: 0>} : vector<16xi32>
      %add3A_54 = vector.broadcast %add3A : i32 to vector<16xi32>
      %add3A_55 = arith.addi %iota3A_53, %add3A_54 : vector<16xi32>
      %add3A_56 = arith.constant 24 : i32
      %add3A_57 = vector.broadcast %add3A_56 : i32 to vector<16xi32>
      %add3A_58 = arith.addi %add3A_55, %add3A_57 : vector<16xi32>
      %sub3A = arith.constant 16 : i32
      %sub3A_59 = vector.broadcast %sub3A : i32 to vector<16xi32>
      %sub3A_60 = arith.subi %add3A_58, %sub3A_59 : vector<16xi32>
      %swap3A_61 = arith.index_cast %scan3A_44 : i32 to index
      %swap3A_62 = arith.constant 8 : index
      %swap3A_63 = tpu.vector_load %arg8[%swap3A_61, %swap3A_62] {strides = array<i32>} : memref<13x24xi32, #tpu.memory_space<vmem>>, vector<1x16xi32>,
      %swap3A_64 = vector.shape_cast %swap3A_63 : vector<1x16xi32> to vector<16xi32>
      %swap3A_65 = vector.shape_cast %sub3A_60 : vector<16xi32> to vector<1x16xi32>
      tpu.vector_store %arg8[%swap3A_61, %swap3A_62], %swap3A_65 {strides = array<i32>} : memref<13x24xi32, #tpu.memory_space<vmem>>, vector<1x16xi32>,
    }
    %scan3A_15 = arith.constant 13 : i32
    %scan3A_16 = arith.constant 0 : i32
    %scan3A_17 = arith.constant 0 : i32
    %scan3A_18 = arith.constant 13 : i32
    %scan3A_19 = arith.addi %scan3A_17, %scan3A_18 : i32
    %scan3A_20 = arith.constant 1 : i32
    scf.for %scan3A_44 = %scan3A_17 to %scan3A_19 step %scan3A_20  : i32 {
      %dma_start3A = arith.constant 0 : i32
      %dma_start3A_45 = tpu.memref_slice %arg8[%scan3A_44, %dma_start3A] : memref<13x24xi32, #tpu.memory_space<vmem>> -> memref<1x24xi32, #tpu.memory_space<vmem>>
      %dma_start3A_46 = tpu.memref_squeeze %dma_start3A_45 : memref<1x24xi32, #tpu.memory_space<vmem>> -> memref<24xi32, #tpu.memory_space<vmem>>
      %dma_start3A_47 = arith.constant 0 : i32
      %dma_start3A_48 = arith.constant 0 : i32
      %dma_start3A_49 = tpu.memref_slice %arg10[%dma_start3A_47, %dma_start3A_48] : memref<5008x128xf32, #tpu.memory_space<vmem_shared>> -> memref<5008x128xf32, #tpu.memory_space<vmem_shared>>
      tpu.enqueue_indirect_dma source(%arg7 : memref<24x128xf32, #tpu.memory_space<vmem>>) target(%dma_start3A_49 : memref<5008x128xf32, #tpu.memory_space<vmem_shared>>) offsets(%dma_start3A_46 : memref<24xi32, #tpu.memory_space<vmem>>) semaphore(%arg11 : memref<!tpu.dma_semaphore, #tpu.memory_space<semaphore_mem>>)
      %dma_wait3A = arith.constant 0 : i32
      %dma_wait3A_50 = tpu.memref_slice %arg8[%scan3A_44, %dma_wait3A] : memref<13x24xi32, #tpu.memory_space<vmem>> -> memref<1x24xi32, #tpu.memory_space<vmem>>
      %dma_wait3A_51 = tpu.memref_squeeze %dma_wait3A_50 : memref<1x24xi32, #tpu.memory_space<vmem>> -> memref<24xi32, #tpu.memory_space<vmem>>
      %dma_wait3A_52 = arith.constant 0 : i32
      %dma_wait3A_53 = arith.constant 0 : i32
      %dma_wait3A_54 = tpu.memref_slice %arg10[%dma_wait3A_52, %dma_wait3A_53] : memref<5008x128xf32, #tpu.memory_space<vmem_shared>> -> memref<5008x128xf32, #tpu.memory_space<vmem_shared>>
      tpu.wait_indirect_dma semaphore(%arg11 : memref<!tpu.dma_semaphore, #tpu.memory_space<semaphore_mem>>) src(%arg7 : memref<24x128xf32, #tpu.memory_space<vmem>>) dst(%dma_wait3A_54 : memref<5008x128xf32, #tpu.memory_space<vmem_shared>>)
    }
    %scan3A_21 = arith.constant 13 : i32
    %eq3A = arith.constant 15 : i32
    %eq3A_22 = arith.cmpi eq, %arg1, %eq3A : i32
    %convert_element_type3A = arith.extui %eq3A_22 : i1 to i32
    %cond3A = arith.constant 0 : i32
    %cond3A_23 = arith.cmpi ne, %convert_element_type3A, %cond3A : i32
    scf.if %cond3A_23 {
      %scan3A_44 = arith.constant 0 : i32
      %scan3A_45 = arith.constant 0 : i32
      %iota3A = tpu.iota {dimensions = array<i32: 0>} : vector<16xi32>
      %add3A = arith.constant 4992 : i32
      %add3A_46 = vector.broadcast %add3A : i32 to vector<16xi32>
      %add3A_47 = arith.addi %iota3A, %add3A_46 : vector<16xi32>
      %mul3A_48 = arith.constant 16 : i32
      %mul3A_49 = arith.muli %scan3A_45, %mul3A_48 : i32
      %add3A_50 = vector.broadcast %mul3A_49 : i32 to vector<16xi32>
      %add3A_51 = arith.addi %add3A_47, %add3A_50 : vector<16xi32>
      %mul3A_52 = arith.constant 16 : i32
      %mul3A_53 = arith.muli %scan3A_45, %mul3A_52 : i32
      %swap3A = arith.index_cast %mul3A_53 : i32 to index
      %swap3A_54 = tpu.vector_load %arg9[%swap3A] {strides = array<i32>} : memref<16xi32, #tpu.memory_space<vmem>>, vector<16xi32>,
      %swap3A_55 = vector.shape_cast %swap3A_54 : vector<16xi32> to vector<16xi32>
      %swap3A_56 = vector.shape_cast %add3A_51 : vector<16xi32> to vector<16xi32>
      tpu.vector_store %arg9[%swap3A], %swap3A_56 {strides = array<i32>} : memref<16xi32, #tpu.memory_space<vmem>>, vector<16xi32>,
      %scan3A_57 = arith.constant 1 : i32
      %iota3A_58 = tpu.iota {dimensions = array<i32: 0>} : vector<16xi32>
      %add3A_59 = arith.constant 4992 : i32
      %add3A_60 = vector.broadcast %add3A_59 : i32 to vector<16xi32>
      %add3A_61 = arith.addi %iota3A_58, %add3A_60 : vector<16xi32>
      %add3A_62 = arith.constant 16 : i32
      %add3A_63 = vector.broadcast %add3A_62 : i32 to vector<16xi32>
      %add3A_64 = arith.addi %add3A_61, %add3A_63 : vector<16xi32>
      %sub3A = arith.constant 16 : i32
      %sub3A_65 = vector.broadcast %sub3A : i32 to vector<16xi32>
      %sub3A_66 = arith.subi %add3A_64, %sub3A_65 : vector<16xi32>
      %swap3A_67 = arith.constant 0 : index
      %swap3A_68 = tpu.vector_load %arg9[%swap3A_67] {strides = array<i32>} : memref<16xi32, #tpu.memory_space<vmem>>, vector<16xi32>,
      %swap3A_69 = vector.shape_cast %swap3A_68 : vector<16xi32> to vector<16xi32>
      %swap3A_70 = vector.shape_cast %sub3A_66 : vector<16xi32> to vector<16xi32>
      tpu.vector_store %arg9[%swap3A_67], %swap3A_70 {strides = array<i32>} : memref<16xi32, #tpu.memory_space<vmem>>, vector<16xi32>,
      %dma_start3A = arith.constant 0 : i32
      %dma_start3A_71 = arith.constant 0 : i32
      %dma_start3A_72 = tpu.memref_slice %arg7[%dma_start3A, %dma_start3A_71] : memref<24x128xf32, #tpu.memory_space<vmem>> -> memref<16x128xf32, #tpu.memory_space<vmem>>
      %dma_start3A_73 = arith.constant 0 : i32
      %dma_start3A_74 = arith.constant 0 : i32
      %dma_start3A_75 = tpu.memref_slice %arg10[%dma_start3A_73, %dma_start3A_74] : memref<5008x128xf32, #tpu.memory_space<vmem_shared>> -> memref<5008x128xf32, #tpu.memory_space<vmem_shared>>
      tpu.enqueue_indirect_dma source(%dma_start3A_72 : memref<16x128xf32, #tpu.memory_space<vmem>>) target(%dma_start3A_75 : memref<5008x128xf32, #tpu.memory_space<vmem_shared>>) offsets(%arg9 : memref<16xi32, #tpu.memory_space<vmem>>) semaphore(%arg11 : memref<!tpu.dma_semaphore, #tpu.memory_space<semaphore_mem>>)
      %dma_wait3A = arith.constant 0 : i32
      %dma_wait3A_76 = arith.constant 0 : i32
      %dma_wait3A_77 = tpu.memref_slice %arg7[%dma_wait3A, %dma_wait3A_76] : memref<24x128xf32, #tpu.memory_space<vmem>> -> memref<16x128xf32, #tpu.memory_space<vmem>>
      %dma_wait3A_78 = arith.constant 0 : i32
      %dma_wait3A_79 = arith.constant 0 : i32
      %dma_wait3A_80 = tpu.memref_slice %arg10[%dma_wait3A_78, %dma_wait3A_79] : memref<5008x128xf32, #tpu.memory_space<vmem_shared>> -> memref<5008x128xf32, #tpu.memory_space<vmem_shared>>
      tpu.wait_indirect_dma semaphore(%arg11 : memref<!tpu.dma_semaphore, #tpu.memory_space<semaphore_mem>>) src(%dma_wait3A_77 : memref<16x128xf32, #tpu.memory_space<vmem>>) dst(%dma_wait3A_80 : memref<5008x128xf32, #tpu.memory_space<vmem_shared>>)
    } else {
    }
    %barrier3A = arith.constant 0 : index
    tpu.barrier barrier_id(%barrier3A)
    %scan3A_24 = arith.constant 0 : i32
    %scan3A_25 = arith.constant 0 : i32
    %scan3A_26 = arith.constant 250 : i32
    %scan3A_27 = arith.addi %scan3A_25, %scan3A_26 : i32
    %scan3A_28 = arith.constant 1 : i32
    scf.for %scan3A_44 = %scan3A_25 to %scan3A_27 step %scan3A_28  : i32 {
      %mul3A_45 = arith.constant 80 : i32
      %mul3A_46 = arith.muli %scan3A_44, %mul3A_45 : i32
      %add3A = arith.addi %mul3A_0, %mul3A_46 : i32
      "tpu.region"() ({
        %run_scoped3A = tpu.sem_alloc : memref<!tpu.dma_semaphore, #tpu.memory_space<semaphore_mem>>
        %dma_start3A_57 = tpu.memref_slice %arg3[%add3A] : memref<320000xi32, #tpu.memory_space<hbm>> -> memref<80xi32, #tpu.memory_space<hbm>>
        %dma_start3A_58 = tpu.memref_slice %arg3[%add3A] : memref<320000xi32, #tpu.memory_space<hbm>> -> memref<80xi32, #tpu.memory_space<hbm>>
        tpu.enqueue_dma source(%dma_start3A_58 : memref<80xi32, #tpu.memory_space<hbm>>) target(%arg6 : memref<80xi32, #tpu.memory_space<vmem>>) target_semaphore(%run_scoped3A : memref<!tpu.dma_semaphore, #tpu.memory_space<semaphore_mem>>)
        %dma_wait3A_59 = tpu.memref_slice %arg3[%add3A] : memref<320000xi32, #tpu.memory_space<hbm>> -> memref<80xi32, #tpu.memory_space<hbm>>
        %dma_wait3A_60 = tpu.memref_slice %arg3[%add3A] : memref<320000xi32, #tpu.memory_space<hbm>> -> memref<80xi32, #tpu.memory_space<hbm>>
        tpu.wait_dma2 semaphore(%run_scoped3A : memref<!tpu.dma_semaphore, #tpu.memory_space<semaphore_mem>>) src(%dma_wait3A_60 : memref<80xi32, #tpu.memory_space<hbm>>) dst(%arg6 : memref<80xi32, #tpu.memory_space<vmem>>)
        tpu.yield
      }) : () -> ()
      "tpu.region"() ({
        %run_scoped3A = tpu.sem_alloc : memref<!tpu.dma_semaphore, #tpu.memory_space<semaphore_mem>>
        %dma_start3A_57 = arith.constant 0 : i32
        %dma_start3A_58 = tpu.memref_slice %arg2[%add3A, %dma_start3A_57] : memref<320000x128xf32, #tpu.memory_space<hbm>> -> memref<80x128xf32, #tpu.memory_space<hbm>>
        %dma_start3A_59 = arith.constant 0 : i32
        %dma_start3A_60 = tpu.memref_slice %arg2[%add3A, %dma_start3A_59] : memref<320000x128xf32, #tpu.memory_space<hbm>> -> memref<80x128xf32, #tpu.memory_space<hbm>>
        tpu.enqueue_dma source(%dma_start3A_60 : memref<80x128xf32, #tpu.memory_space<hbm>>) target(%arg5 : memref<80x128xf32, #tpu.memory_space<vmem>>) target_semaphore(%run_scoped3A : memref<!tpu.dma_semaphore, #tpu.memory_space<semaphore_mem>>)
        %dma_wait3A_61 = arith.constant 0 : i32
        %dma_wait3A_62 = tpu.memref_slice %arg2[%add3A, %dma_wait3A_61] : memref<320000x128xf32, #tpu.memory_space<hbm>> -> memref<80x128xf32, #tpu.memory_space<hbm>>
        %dma_wait3A_63 = arith.constant 0 : i32
        %dma_wait3A_64 = tpu.memref_slice %arg2[%add3A, %dma_wait3A_63] : memref<320000x128xf32, #tpu.memory_space<hbm>> -> memref<80x128xf32, #tpu.memory_space<hbm>>
        tpu.wait_dma2 semaphore(%run_scoped3A : memref<!tpu.dma_semaphore, #tpu.memory_space<semaphore_mem>>) src(%dma_wait3A_64 : memref<80x128xf32, #tpu.memory_space<hbm>>) dst(%arg5 : memref<80x128xf32, #tpu.memory_space<vmem>>)
        tpu.yield
      }) : () -> ()
      %scan3A_47 = arith.constant 0 : i32
      %scan3A_48 = arith.constant 0 : i32
      %scan3A_49 = arith.constant 5 : i32
      %scan3A_50 = arith.addi %scan3A_48, %scan3A_49 : i32
      %scan3A_51 = arith.constant 1 : i32
      scf.for %scan3A_57 = %scan3A_48 to %scan3A_50 step %scan3A_51  : i32 {
        %mul3A_58 = arith.constant 16 : i32
        %mul3A_59 = arith.muli %scan3A_57, %mul3A_58 : i32
        %get3A = arith.index_cast %mul3A_59 : i32 to index
        %get3A_60 = tpu.vector_load %arg6[%get3A] {strides = array<i32>} : memref<80xi32, #tpu.memory_space<vmem>>, vector<16xi32>,
        %get3A_61 = vector.shape_cast %get3A_60 : vector<16xi32> to vector<16xi32>
        %sub3A = vector.broadcast %mul3A_2 : i32 to vector<16xi32>
        %sub3A_62 = arith.subi %get3A_61, %sub3A : vector<16xi32>
        %ge3A = arith.constant 0 : i32
        %ge3A_63 = vector.broadcast %ge3A : i32 to vector<16xi32>
        %ge3A_64 = arith.cmpi sge, %sub3A_62, %ge3A_63 : vector<16xi32>
        %lt3A = arith.constant 5000 : i32
        %lt3A_65 = vector.broadcast %lt3A : i32 to vector<16xi32>
        %lt3A_66 = arith.cmpi slt, %sub3A_62, %lt3A_65 : vector<16xi32>
        %and3A = arith.andi %ge3A_64, %lt3A_66 : vector<16xi1>
        %jit3A = arith.constant 5000 : i32
        %broadcast_in_dim3A = vector.broadcast %jit3A : i32 to vector<16xi32>
        %select_n3A = arith.select %and3A, %sub3A_62, %broadcast_in_dim3A : vector<16xi1>, vector<16xi32>
        %mul3A_67 = arith.constant 16 : i32
        %mul3A_68 = arith.muli %scan3A_57, %mul3A_67 : i32
        %swap3A = arith.index_cast %mul3A_68 : i32 to index
        %swap3A_69 = tpu.vector_load %arg6[%swap3A] {strides = array<i32>} : memref<80xi32, #tpu.memory_space<vmem>>, vector<16xi32>,
        %swap3A_70 = vector.shape_cast %swap3A_69 : vector<16xi32> to vector<16xi32>
        %swap3A_71 = vector.shape_cast %select_n3A : vector<16xi32> to vector<16xi32>
        tpu.vector_store %arg6[%swap3A], %swap3A_71 {strides = array<i32>} : memref<80xi32, #tpu.memory_space<vmem>>, vector<16xi32>,
      }
      %scan3A_52 = arith.constant 5 : i32
      %dma_start3A = arith.constant 0 : i32
      %dma_start3A_53 = arith.constant 0 : i32
      %dma_start3A_54 = tpu.memref_slice %arg10[%dma_start3A, %dma_start3A_53] : memref<5008x128xf32, #tpu.memory_space<vmem_shared>> -> memref<5008x128xf32, #tpu.memory_space<vmem_shared>>
      tpu.enqueue_indirect_dma source(%arg5 : memref<80x128xf32, #tpu.memory_space<vmem>>) target(%dma_start3A_54 : memref<5008x128xf32, #tpu.memory_space<vmem_shared>>) offsets(%arg6 : memref<80xi32, #tpu.memory_space<vmem>>) semaphore(%arg11 : memref<!tpu.dma_semaphore, #tpu.memory_space<semaphore_mem>>) {add = true}
      %dma_wait3A = arith.constant 0 : i32
      %dma_wait3A_55 = arith.constant 0 : i32
      %dma_wait3A_56 = tpu.memref_slice %arg10[%dma_wait3A, %dma_wait3A_55] : memref<5008x128xf32, #tpu.memory_space<vmem_shared>> -> memref<5008x128xf32, #tpu.memory_space<vmem_shared>>
      tpu.wait_indirect_dma semaphore(%arg11 : memref<!tpu.dma_semaphore, #tpu.memory_space<semaphore_mem>>) src(%arg5 : memref<80x128xf32, #tpu.memory_space<vmem>>) dst(%dma_wait3A_56 : memref<5008x128xf32, #tpu.memory_space<vmem_shared>>)
    }
    %scan3A_29 = arith.constant 250 : i32
    %barrier3A_30 = arith.constant 0 : index
    tpu.barrier barrier_id(%barrier3A_30)
    %mul3A_31 = arith.constant 312 : i32
    %mul3A_32 = arith.muli %arg1, %mul3A_31 : i32
    %scan3A_33 = arith.constant 0 : i32
    %scan3A_34 = arith.constant 0 : i32
    %scan3A_35 = arith.constant 13 : i32
    %scan3A_36 = arith.addi %scan3A_34, %scan3A_35 : i32
    %scan3A_37 = arith.constant 1 : i32
    scf.for %scan3A_44 = %scan3A_34 to %scan3A_36 step %scan3A_37  : i32 {
      %dma_start3A = arith.constant 0 : i32
      %dma_start3A_45 = tpu.memref_slice %arg8[%scan3A_44, %dma_start3A] : memref<13x24xi32, #tpu.memory_space<vmem>> -> memref<1x24xi32, #tpu.memory_space<vmem>>
      %dma_start3A_46 = tpu.memref_squeeze %dma_start3A_45 : memref<1x24xi32, #tpu.memory_space<vmem>> -> memref<24xi32, #tpu.memory_space<vmem>>
      %dma_start3A_47 = arith.constant 0 : i32
      %dma_start3A_48 = arith.constant 0 : i32
      %dma_start3A_49 = tpu.memref_slice %arg10[%dma_start3A_47, %dma_start3A_48] : memref<5008x128xf32, #tpu.memory_space<vmem_shared>> -> memref<5008x128xf32, #tpu.memory_space<vmem_shared>>
      tpu.enqueue_indirect_dma source(%dma_start3A_49 : memref<5008x128xf32, #tpu.memory_space<vmem_shared>>) target(%arg7 : memref<24x128xf32, #tpu.memory_space<vmem>>) offsets(%dma_start3A_46 : memref<24xi32, #tpu.memory_space<vmem>>) semaphore(%arg11 : memref<!tpu.dma_semaphore, #tpu.memory_space<semaphore_mem>>)
      %dma_wait3A = arith.constant 0 : i32
      %dma_wait3A_50 = tpu.memref_slice %arg8[%scan3A_44, %dma_wait3A] : memref<13x24xi32, #tpu.memory_space<vmem>> -> memref<1x24xi32, #tpu.memory_space<vmem>>
      %dma_wait3A_51 = tpu.memref_squeeze %dma_wait3A_50 : memref<1x24xi32, #tpu.memory_space<vmem>> -> memref<24xi32, #tpu.memory_space<vmem>>
      %dma_wait3A_52 = arith.constant 0 : i32
      %dma_wait3A_53 = arith.constant 0 : i32
      %dma_wait3A_54 = tpu.memref_slice %arg10[%dma_wait3A_52, %dma_wait3A_53] : memref<5008x128xf32, #tpu.memory_space<vmem_shared>> -> memref<5008x128xf32, #tpu.memory_space<vmem_shared>>
      tpu.wait_indirect_dma semaphore(%arg11 : memref<!tpu.dma_semaphore, #tpu.memory_space<semaphore_mem>>) src(%dma_wait3A_54 : memref<5008x128xf32, #tpu.memory_space<vmem_shared>>) dst(%arg7 : memref<24x128xf32, #tpu.memory_space<vmem>>)
      %add3A = arith.addi %mul3A_2, %mul3A_32 : i32
      %mul3A_55 = arith.constant 24 : i32
      %mul3A_56 = arith.muli %scan3A_44, %mul3A_55 : i32
      %add3A_57 = arith.addi %add3A, %mul3A_56 : i32
      "tpu.region"() ({
        %run_scoped3A = tpu.sem_alloc : memref<!tpu.dma_semaphore, #tpu.memory_space<semaphore_mem>>
        %dma_start3A_58 = arith.constant 0 : i32
        %dma_start3A_59 = tpu.memref_slice %arg4[%add3A_57, %dma_start3A_58] : memref<10000x128xf32, #tpu.memory_space<hbm>> -> memref<24x128xf32, #tpu.memory_space<hbm>>
        %dma_start3A_60 = arith.constant 0 : i32
        %dma_start3A_61 = tpu.memref_slice %arg4[%add3A_57, %dma_start3A_60] : memref<10000x128xf32, #tpu.memory_space<hbm>> -> memref<24x128xf32, #tpu.memory_space<hbm>>
        tpu.enqueue_dma source(%arg7 : memref<24x128xf32, #tpu.memory_space<vmem>>) target(%dma_start3A_61 : memref<24x128xf32, #tpu.memory_space<hbm>>) target_semaphore(%run_scoped3A : memref<!tpu.dma_semaphore, #tpu.memory_space<semaphore_mem>>)
        %dma_wait3A_62 = arith.constant 0 : i32
        %dma_wait3A_63 = tpu.memref_slice %arg4[%add3A_57, %dma_wait3A_62] : memref<10000x128xf32, #tpu.memory_space<hbm>> -> memref<24x128xf32, #tpu.memory_space<hbm>>
        %dma_wait3A_64 = arith.constant 0 : i32
        %dma_wait3A_65 = tpu.memref_slice %arg4[%add3A_57, %dma_wait3A_64] : memref<10000x128xf32, #tpu.memory_space<hbm>> -> memref<24x128xf32, #tpu.memory_space<hbm>>
        tpu.wait_dma2 semaphore(%run_scoped3A : memref<!tpu.dma_semaphore, #tpu.memory_space<semaphore_mem>>) src(%arg7 : memref<24x128xf32, #tpu.memory_space<vmem>>) dst(%dma_wait3A_65 : memref<24x128xf32, #tpu.memory_space<hbm>>)
        tpu.yield
      }) : () -> ()
    }
    %scan3A_38 = arith.constant 13 : i32
    %eq3A_39 = arith.constant 15 : i32
    %eq3A_40 = arith.cmpi eq, %arg1, %eq3A_39 : i32
    %convert_element_type3A_41 = arith.extui %eq3A_40 : i1 to i32
    %cond3A_42 = arith.constant 0 : i32
    %cond3A_43 = arith.cmpi ne, %convert_element_type3A_41, %cond3A_42 : i32
    scf.if %cond3A_43 {
      %scan3A_44 = arith.constant 0 : i32
      %scan3A_45 = arith.constant 0 : i32
      %iota3A = tpu.iota {dimensions = array<i32: 0>} : vector<16xi32>
      %add3A = arith.constant 4984 : i32
      %add3A_46 = vector.broadcast %add3A : i32 to vector<16xi32>
      %add3A_47 = arith.addi %iota3A, %add3A_46 : vector<16xi32>
      %mul3A_48 = arith.constant 16 : i32
      %mul3A_49 = arith.muli %scan3A_45, %mul3A_48 : i32
      %add3A_50 = vector.broadcast %mul3A_49 : i32 to vector<16xi32>
      %add3A_51 = arith.addi %add3A_47, %add3A_50 : vector<16xi32>
      %mul3A_52 = arith.constant 16 : i32
      %mul3A_53 = arith.muli %scan3A_45, %mul3A_52 : i32
      %swap3A = arith.index_cast %mul3A_53 : i32 to index
      %swap3A_54 = tpu.vector_load %arg9[%swap3A] {strides = array<i32>} : memref<16xi32, #tpu.memory_space<vmem>>, vector<16xi32>,
      %swap3A_55 = vector.shape_cast %swap3A_54 : vector<16xi32> to vector<16xi32>
      %swap3A_56 = vector.shape_cast %add3A_51 : vector<16xi32> to vector<16xi32>
      tpu.vector_store %arg9[%swap3A], %swap3A_56 {strides = array<i32>} : memref<16xi32, #tpu.memory_space<vmem>>, vector<16xi32>,
      %scan3A_57 = arith.constant 1 : i32
      %iota3A_58 = tpu.iota {dimensions = array<i32: 0>} : vector<16xi32>
      %add3A_59 = arith.constant 4984 : i32
      %add3A_60 = vector.broadcast %add3A_59 : i32 to vector<16xi32>
      %add3A_61 = arith.addi %iota3A_58, %add3A_60 : vector<16xi32>
      %add3A_62 = arith.constant 16 : i32
      %add3A_63 = vector.broadcast %add3A_62 : i32 to vector<16xi32>
      %add3A_64 = arith.addi %add3A_61, %add3A_63 : vector<16xi32>
      %sub3A = arith.constant 16 : i32
      %sub3A_65 = vector.broadcast %sub3A : i32 to vector<16xi32>
      %sub3A_66 = arith.subi %add3A_64, %sub3A_65 : vector<16xi32>
      %swap3A_67 = arith.constant 0 : index
      %swap3A_68 = tpu.vector_load %arg9[%swap3A_67] {strides = array<i32>} : memref<16xi32, #tpu.memory_space<vmem>>, vector<16xi32>,
      %swap3A_69 = vector.shape_cast %swap3A_68 : vector<16xi32> to vector<16xi32>
      %swap3A_70 = vector.shape_cast %sub3A_66 : vector<16xi32> to vector<16xi32>
      tpu.vector_store %arg9[%swap3A_67], %swap3A_70 {strides = array<i32>} : memref<16xi32, #tpu.memory_space<vmem>>, vector<16xi32>,
      %dma_start3A = arith.constant 0 : i32
      %dma_start3A_71 = arith.constant 0 : i32
      %dma_start3A_72 = tpu.memref_slice %arg7[%dma_start3A, %dma_start3A_71] : memref<24x128xf32, #tpu.memory_space<vmem>> -> memref<16x128xf32, #tpu.memory_space<vmem>>
      %dma_start3A_73 = arith.constant 0 : i32
      %dma_start3A_74 = arith.constant 0 : i32
      %dma_start3A_75 = tpu.memref_slice %arg10[%dma_start3A_73, %dma_start3A_74] : memref<5008x128xf32, #tpu.memory_space<vmem_shared>> -> memref<5008x128xf32, #tpu.memory_space<vmem_shared>>
      tpu.enqueue_indirect_dma source(%dma_start3A_75 : memref<5008x128xf32, #tpu.memory_space<vmem_shared>>) target(%dma_start3A_72 : memref<16x128xf32, #tpu.memory_space<vmem>>) offsets(%arg9 : memref<16xi32, #tpu.memory_space<vmem>>) semaphore(%arg11 : memref<!tpu.dma_semaphore, #tpu.memory_space<semaphore_mem>>)
      %dma_wait3A = arith.constant 0 : i32
      %dma_wait3A_76 = arith.constant 0 : i32
      %dma_wait3A_77 = tpu.memref_slice %arg7[%dma_wait3A, %dma_wait3A_76] : memref<24x128xf32, #tpu.memory_space<vmem>> -> memref<16x128xf32, #tpu.memory_space<vmem>>
      %dma_wait3A_78 = arith.constant 0 : i32
      %dma_wait3A_79 = arith.constant 0 : i32
      %dma_wait3A_80 = tpu.memref_slice %arg10[%dma_wait3A_78, %dma_wait3A_79] : memref<5008x128xf32, #tpu.memory_space<vmem_shared>> -> memref<5008x128xf32, #tpu.memory_space<vmem_shared>>
      tpu.wait_indirect_dma semaphore(%arg11 : memref<!tpu.dma_semaphore, #tpu.memory_space<semaphore_mem>>) src(%dma_wait3A_80 : memref<5008x128xf32, #tpu.memory_space<vmem_shared>>) dst(%dma_wait3A_77 : memref<16x128xf32, #tpu.memory_space<vmem>>)
      %add3A_81 = arith.constant 5000 : i32
      %add3A_82 = arith.addi %mul3A_2, %add3A_81 : i32
      %sub3A_83 = arith.constant 16 : i32
      %sub3A_84 = arith.subi %add3A_82, %sub3A_83 : i32
      "tpu.region"() ({
        %run_scoped3A = tpu.sem_alloc : memref<!tpu.dma_semaphore, #tpu.memory_space<semaphore_mem>>
        %dma_start3A_85 = arith.constant 0 : i32
        %dma_start3A_86 = arith.constant 0 : i32
        %dma_start3A_87 = tpu.memref_slice %arg7[%dma_start3A_85, %dma_start3A_86] : memref<24x128xf32, #tpu.memory_space<vmem>> -> memref<16x128xf32, #tpu.memory_space<vmem>>
        %dma_start3A_88 = arith.constant 0 : i32
        %dma_start3A_89 = tpu.memref_slice %arg4[%sub3A_84, %dma_start3A_88] : memref<10000x128xf32, #tpu.memory_space<hbm>> -> memref<16x128xf32, #tpu.memory_space<hbm>>
        %dma_start3A_90 = arith.constant 0 : i32
        %dma_start3A_91 = tpu.memref_slice %arg4[%sub3A_84, %dma_start3A_90] : memref<10000x128xf32, #tpu.memory_space<hbm>> -> memref<16x128xf32, #tpu.memory_space<hbm>>
        %dma_start3A_92 = arith.constant 0 : i32
        %dma_start3A_93 = arith.constant 0 : i32
        %dma_start3A_94 = tpu.memref_slice %arg7[%dma_start3A_92, %dma_start3A_93] : memref<24x128xf32, #tpu.memory_space<vmem>> -> memref<16x128xf32, #tpu.memory_space<vmem>>
        tpu.enqueue_dma source(%dma_start3A_94 : memref<16x128xf32, #tpu.memory_space<vmem>>) target(%dma_start3A_91 : memref<16x128xf32, #tpu.memory_space<hbm>>) target_semaphore(%run_scoped3A : memref<!tpu.dma_semaphore, #tpu.memory_space<semaphore_mem>>)
        %dma_wait3A_95 = arith.constant 0 : i32
        %dma_wait3A_96 = arith.constant 0 : i32
        %dma_wait3A_97 = tpu.memref_slice %arg7[%dma_wait3A_95, %dma_wait3A_96] : memref<24x128xf32, #tpu.memory_space<vmem>> -> memref<16x128xf32, #tpu.memory_space<vmem>>
        %dma_wait3A_98 = arith.constant 0 : i32
        %dma_wait3A_99 = tpu.memref_slice %arg4[%sub3A_84, %dma_wait3A_98] : memref<10000x128xf32, #tpu.memory_space<hbm>> -> memref<16x128xf32, #tpu.memory_space<hbm>>
        %dma_wait3A_100 = arith.constant 0 : i32
        %dma_wait3A_101 = tpu.memref_slice %arg4[%sub3A_84, %dma_wait3A_100] : memref<10000x128xf32, #tpu.memory_space<hbm>> -> memref<16x128xf32, #tpu.memory_space<hbm>>
        %dma_wait3A_102 = arith.constant 0 : i32
        %dma_wait3A_103 = arith.constant 0 : i32
        %dma_wait3A_104 = tpu.memref_slice %arg7[%dma_wait3A_102, %dma_wait3A_103] : memref<24x128xf32, #tpu.memory_space<vmem>> -> memref<16x128xf32, #tpu.memory_space<vmem>>
        tpu.wait_dma2 semaphore(%run_scoped3A : memref<!tpu.dma_semaphore, #tpu.memory_space<semaphore_mem>>) src(%dma_wait3A_104 : memref<16x128xf32, #tpu.memory_space<vmem>>) dst(%dma_wait3A_101 : memref<16x128xf32, #tpu.memory_space<hbm>>)
        tpu.yield
      }) : () -> ()
    } else {
    }
    return
  }
}

module attributes {stable_mosaic.version = 14 : i64} {
  func.func @_k2a_body(%arg0: i32, %arg1: memref<1600x256xf32, #tpu.memory_space<vmem>>, %arg2: memref<1600x16xf32, #tpu.memory_space<vmem>>, %arg3: memref<1600x16xf32, #tpu.memory_space<vmem>>, %arg4: memref<1x1x1600xi32, #tpu.memory_space<vmem>>, %arg5: memref<1x1x1600xi32, #tpu.memory_space<smem>>, %arg6: memref<256x256xf32, #tpu.memory_space<vmem>>, %arg7: memref<16x16xf32, #tpu.memory_space<vmem>>, %arg8: memref<16x256xf32, #tpu.memory_space<vmem>>, %arg9: memref<128x256xf32, #tpu.memory_space<vmem>>, %arg10: memref<128x256xf32, #tpu.memory_space<vmem>>, %arg11: memref<128x1xf32, #tpu.memory_space<vmem>>) attributes {dimension_semantics = [#tpu.dimension_semantics<arbitrary>], iteration_bounds = array<i64: 200>, scalar_prefetch = 0 : i64, scratch_operands = 0 : i64, tpu.core_type = #tpu.core_type<tc>, window_params = [{transform_indices = @transform_0, window_bounds = array<i64: 1600, 256>}, {transform_indices = @transform_1, window_bounds = array<i64: 1600, 16>}, {transform_indices = @transform_2, window_bounds = array<i64: 1600, 16>}, {transform_indices = @transform_3, window_bounds = array<i64: 1, 1, 1600>}, {transform_indices = @transform_4, window_bounds = array<i64: 1, 1, 1600>}, {pipeline_mode = #tpu.pipeline_mode<synchronous>, transform_indices = @transform_5, window_bounds = array<i64: 256, 256>}, {pipeline_mode = #tpu.pipeline_mode<synchronous>, transform_indices = @transform_6, window_bounds = array<i64: 16, 16>}, {pipeline_mode = #tpu.pipeline_mode<synchronous>, transform_indices = @transform_7, window_bounds = array<i64: 16, 256>}, {pipeline_mode = #tpu.pipeline_mode<synchronous>, transform_indices = @transform_8, window_bounds = array<i64: 128, 256>}, {pipeline_mode = #tpu.pipeline_mode<synchronous>, transform_indices = @transform_9, window_bounds = array<i64: 128, 256>}, {pipeline_mode = #tpu.pipeline_mode<synchronous>, transform_indices = @transform_10, window_bounds = array<i64: 128, 1>}]} {
    %eq3A = arith.constant 0 : i32
    %eq3A_0 = arith.cmpi eq, %arg0, %eq3A : i32
    %convert_element_type3A = arith.extui %eq3A_0 : i1 to i32
    %cond3A = arith.constant 0 : i32
    %cond3A_1 = arith.cmpi ne, %convert_element_type3A, %cond3A : i32
    scf.if %cond3A_1 {
      %broadcast_in_dim3A = arith.constant 0.000000e+00 : f32
      %broadcast_in_dim3A_42 = vector.broadcast %broadcast_in_dim3A : f32 to vector<128x256xf32>
      %swap3A = arith.constant 0 : index
      %swap3A_43 = arith.constant 0 : index
      %swap3A_44 = vector.load %arg9[%swap3A, %swap3A_43] : memref<128x256xf32, #tpu.memory_space<vmem>>, vector<128x256xf32>
      tpu.vector_store %arg9[%swap3A, %swap3A_43], %broadcast_in_dim3A_42 {strides = array<i32>} : memref<128x256xf32, #tpu.memory_space<vmem>>, vector<128x256xf32>,
      %broadcast_in_dim3A_45 = arith.constant 0.000000e+00 : f32
      %broadcast_in_dim3A_46 = vector.broadcast %broadcast_in_dim3A_45 : f32 to vector<128x256xf32>
      %swap3A_47 = arith.constant 0 : index
      %swap3A_48 = arith.constant 0 : index
      %swap3A_49 = vector.load %arg10[%swap3A_47, %swap3A_48] : memref<128x256xf32, #tpu.memory_space<vmem>>, vector<128x256xf32>
      tpu.vector_store %arg10[%swap3A_47, %swap3A_48], %broadcast_in_dim3A_46 {strides = array<i32>} : memref<128x256xf32, #tpu.memory_space<vmem>>, vector<128x256xf32>,
      %broadcast_in_dim3A_50 = arith.constant 0.000000e+00 : f32
      %broadcast_in_dim3A_51 = vector.broadcast %broadcast_in_dim3A_50 : f32 to vector<128x1xf32>
      %swap3A_52 = arith.constant 0 : index
      %swap3A_53 = arith.constant 0 : index
      %swap3A_54 = vector.load %arg11[%swap3A_52, %swap3A_53] : memref<128x1xf32, #tpu.memory_space<vmem>>, vector<128x1xf32>
      tpu.vector_store %arg11[%swap3A_52, %swap3A_53], %broadcast_in_dim3A_51 {strides = array<i32>} : memref<128x1xf32, #tpu.memory_space<vmem>>, vector<128x1xf32>,
    } else {
    }
    %get3A = arith.constant 0 : index
    %get3A_2 = arith.constant 0 : index
    %get3A_3 = vector.load %arg2[%get3A, %get3A_2] : memref<1600x16xf32, #tpu.memory_space<vmem>>, vector<1600x16xf32>
    %get3A_4 = arith.constant 0 : index
    %get3A_5 = arith.constant 0 : index
    %get3A_6 = vector.load %arg3[%get3A_4, %get3A_5] : memref<1600x16xf32, #tpu.memory_space<vmem>>, vector<1600x16xf32>
    %get3A_7 = arith.constant 0 : index
    %get3A_8 = arith.constant 0 : index
    %get3A_9 = vector.load %arg7[%get3A_7, %get3A_8] : memref<16x16xf32, #tpu.memory_space<vmem>>, vector<16x16xf32>
    %dot_general3A = arith.constant dense<0.000000e+00> : vector<1600x16xf32>
    %dot_general3A_10 = tpu.matmul %get3A_6, %get3A_9, %dot_general3A {dimension_numbers = #tpu.dot_dimension_numbers<[1], [0], [0], [1], [0, 0, 1, 1], [], []>, transpose_lhs_hint = false} : vector<1600x16xf32>, vector<16x16xf32>, vector<1600x16xf32> -> vector<1600x16xf32>
    %mul3A = arith.mulf %get3A_3, %dot_general3A_10 : vector<1600x16xf32>
    %get3A_11 = arith.constant 0 : index
    %get3A_12 = arith.constant 0 : index
    %get3A_13 = vector.load %arg1[%get3A_11, %get3A_12] : memref<1600x256xf32, #tpu.memory_space<vmem>>, vector<1600x256xf32>
    %convert_element_type3A_14 = arith.truncf %get3A_13 : vector<1600x256xf32> to vector<1600x256xbf16>
    %get3A_15 = arith.constant 0 : index
    %get3A_16 = arith.constant 0 : index
    %get3A_17 = vector.load %arg6[%get3A_15, %get3A_16] : memref<256x256xf32, #tpu.memory_space<vmem>>, vector<256x256xf32>
    %convert_element_type3A_18 = arith.truncf %get3A_17 : vector<256x256xf32> to vector<256x256xbf16>
    %dot_general3A_19 = arith.constant dense<0.000000e+00> : vector<1600x256xf32>
    %dot_general3A_20 = tpu.matmul %convert_element_type3A_14, %convert_element_type3A_18, %dot_general3A_19 {dimension_numbers = #tpu.dot_dimension_numbers<[1], [0], [0], [1], [0, 0, 1, 1], [], []>, transpose_lhs_hint = false} : vector<1600x256xbf16>, vector<256x256xbf16>, vector<1600x256xf32> -> vector<1600x256xf32>
    %get3A_21 = arith.constant 0 : index
    %get3A_22 = arith.constant 0 : index
    %get3A_23 = vector.load %arg8[%get3A_21, %get3A_22] : memref<16x256xf32, #tpu.memory_space<vmem>>, vector<16x256xf32>
    %dot_general3A_24 = arith.constant dense<0.000000e+00> : vector<1600x256xf32>
    %dot_general3A_25 = tpu.matmul %mul3A, %get3A_23, %dot_general3A_24 {dimension_numbers = #tpu.dot_dimension_numbers<[1], [0], [0], [1], [0, 0, 1, 1], [], []>, transpose_lhs_hint = false} : vector<1600x16xf32>, vector<16x256xf32>, vector<1600x256xf32> -> vector<1600x256xf32>
    %add3A = arith.addf %dot_general3A_20, %dot_general3A_25 : vector<1600x256xf32>
    %mul3A_26 = arith.mulf %add3A, %add3A : vector<1600x256xf32>
    %get3A_27 = arith.constant 0 : index
    %get3A_28 = arith.constant 0 : index
    %get3A_29 = arith.constant 0 : index
    %get3A_30 = memref.load %arg5[%get3A_27, %get3A_28, %get3A_29] : memref<1x1x1600xi32, #tpu.memory_space<smem>>
    %get3A_31 = arith.constant 0 : index
    %get3A_32 = arith.constant 0 : index
    %get3A_33 = arith.constant 1599 : index
    %get3A_34 = memref.load %arg5[%get3A_31, %get3A_32, %get3A_33] : memref<1x1x1600xi32, #tpu.memory_space<smem>>
    %eq3A_35 = arith.cmpi eq, %get3A_30, %get3A_34 : i32
    %convert_element_type3A_36 = arith.extui %eq3A_35 : i1 to i32
    %cond3A_37 = arith.constant 0 : i32
    %cond3A_38 = arith.cmpi ne, %convert_element_type3A_36, %cond3A_37 : i32
    scf.if %cond3A_38 {
      %get3A_42 = arith.index_cast %get3A_30 : i32 to index
      %get3A_43 = arith.constant 0 : index
      %get3A_44 = vector.load %arg9[%get3A_42, %get3A_43] : memref<128x256xf32, #tpu.memory_space<vmem>>, vector<1x256xf32>
      %reduce_sum3A = arith.constant dense<0.000000e+00> : vector<256xf32>
      %reduce_sum3A_45 = vector.multi_reduction <add>, %add3A, %reduce_sum3A [0] : vector<1600x256xf32> to vector<256xf32>
      %broadcast_in_dim3A = vector.shape_cast %reduce_sum3A_45 : vector<256xf32> to vector<1x256xf32>
      %add3A_46 = arith.addf %get3A_44, %broadcast_in_dim3A : vector<1x256xf32>
      %swap3A = arith.index_cast %get3A_30 : i32 to index
      %swap3A_47 = arith.constant 0 : index
      %swap3A_48 = vector.load %arg9[%swap3A, %swap3A_47] : memref<128x256xf32, #tpu.memory_space<vmem>>, vector<1x256xf32>
      tpu.vector_store %arg9[%swap3A, %swap3A_47], %add3A_46 {strides = array<i32>} : memref<128x256xf32, #tpu.memory_space<vmem>>, vector<1x256xf32>,
      %get3A_49 = arith.index_cast %get3A_30 : i32 to index
      %get3A_50 = arith.constant 0 : index
      %get3A_51 = vector.load %arg10[%get3A_49, %get3A_50] : memref<128x256xf32, #tpu.memory_space<vmem>>, vector<1x256xf32>
      %reduce_sum3A_52 = arith.constant dense<0.000000e+00> : vector<256xf32>
      %reduce_sum3A_53 = vector.multi_reduction <add>, %mul3A_26, %reduce_sum3A_52 [0] : vector<1600x256xf32> to vector<256xf32>
      %broadcast_in_dim3A_54 = vector.shape_cast %reduce_sum3A_53 : vector<256xf32> to vector<1x256xf32>
      %add3A_55 = arith.addf %get3A_51, %broadcast_in_dim3A_54 : vector<1x256xf32>
      %swap3A_56 = arith.index_cast %get3A_30 : i32 to index
      %swap3A_57 = arith.constant 0 : index
      %swap3A_58 = vector.load %arg10[%swap3A_56, %swap3A_57] : memref<128x256xf32, #tpu.memory_space<vmem>>, vector<1x256xf32>
      tpu.vector_store %arg10[%swap3A_56, %swap3A_57], %add3A_55 {strides = array<i32>} : memref<128x256xf32, #tpu.memory_space<vmem>>, vector<1x256xf32>,
      %get3A_59 = arith.index_cast %get3A_30 : i32 to index
      %get3A_60 = arith.constant 0 : index
      %get3A_61 = vector.load %arg11[%get3A_59, %get3A_60] : memref<128x1xf32, #tpu.memory_space<vmem>>, vector<1x1xf32>
      %broadcast_in_dim3A_62 = arith.constant 1.600000e+03 : f32
      %broadcast_in_dim3A_63 = vector.broadcast %broadcast_in_dim3A_62 : f32 to vector<1x1xf32>
      %add3A_64 = arith.addf %get3A_61, %broadcast_in_dim3A_63 : vector<1x1xf32>
      %swap3A_65 = arith.index_cast %get3A_30 : i32 to index
      %swap3A_66 = arith.constant 0 : index
      %swap3A_67 = vector.load %arg11[%swap3A_65, %swap3A_66] : memref<128x1xf32, #tpu.memory_space<vmem>>, vector<1x1xf32>
      tpu.vector_store %arg11[%swap3A_65, %swap3A_66], %add3A_64 {strides = array<i32>} : memref<128x1xf32, #tpu.memory_space<vmem>>, vector<1x1xf32>,
    } else {
    }
    %ne3A = arith.cmpi ne, %get3A_30, %get3A_34 : i32
    %convert_element_type3A_39 = arith.extui %ne3A : i1 to i32
    %cond3A_40 = arith.constant 0 : i32
    %cond3A_41 = arith.cmpi ne, %convert_element_type3A_39, %cond3A_40 : i32
    scf.if %cond3A_41 {
      %get3A_42 = arith.constant 0 : index
      %get3A_43 = arith.constant 0 : index
      %get3A_44 = arith.constant 0 : index
      %get3A_45 = vector.load %arg4[%get3A_42, %get3A_43, %get3A_44] : memref<1x1x1600xi32, #tpu.memory_space<vmem>>, vector<1x1x1600xi32>
      %get3A_46 = vector.shape_cast %get3A_45 : vector<1x1x1600xi32> to vector<1x1600xi32>
      %iota3A = tpu.iota {dimensions = array<i32: 0>} : vector<128x1600xi32>
      %broadcast_in_dim3A = vector.shape_cast %get3A_46 : vector<1x1600xi32> to vector<1x1600xi32>
      %broadcast_in_dim3A_47 = vector.broadcast %broadcast_in_dim3A : vector<1x1600xi32> to vector<128x1600xi32>
      %eq3A_48 = arith.cmpi eq, %iota3A, %broadcast_in_dim3A_47 : vector<128x1600xi32>
      %jit3A = arith.constant 1.000000e+00 : f32
      %jit3A_49 = arith.constant 0.000000e+00 : f32
      %broadcast_in_dim3A_50 = vector.broadcast %jit3A : f32 to vector<128x1600xf32>
      %broadcast_in_dim3A_51 = vector.broadcast %jit3A_49 : f32 to vector<128x1600xf32>
      %select_n3A = arith.select %eq3A_48, %broadcast_in_dim3A_50, %broadcast_in_dim3A_51 : vector<128x1600xi1>, vector<128x1600xf32>
      %get3A_52 = arith.constant 0 : index
      %get3A_53 = arith.constant 0 : index
      %get3A_54 = vector.load %arg9[%get3A_52, %get3A_53] : memref<128x256xf32, #tpu.memory_space<vmem>>, vector<128x256xf32>
      %dot_general3A_55 = arith.constant dense<0.000000e+00> : vector<128x256xf32>
      %dot_general3A_56 = tpu.matmul %select_n3A, %add3A, %dot_general3A_55 {dimension_numbers = #tpu.dot_dimension_numbers<[1], [0], [0], [1], [0, 0, 1, 1], [], []>, transpose_lhs_hint = false} : vector<128x1600xf32>, vector<1600x256xf32>, vector<128x256xf32> -> vector<128x256xf32>
      %add3A_57 = arith.addf %get3A_54, %dot_general3A_56 : vector<128x256xf32>
      %swap3A = arith.constant 0 : index
      %swap3A_58 = arith.constant 0 : index
      %swap3A_59 = vector.load %arg9[%swap3A, %swap3A_58] : memref<128x256xf32, #tpu.memory_space<vmem>>, vector<128x256xf32>
      tpu.vector_store %arg9[%swap3A, %swap3A_58], %add3A_57 {strides = array<i32>} : memref<128x256xf32, #tpu.memory_space<vmem>>, vector<128x256xf32>,
      %get3A_60 = arith.constant 0 : index
      %get3A_61 = arith.constant 0 : index
      %get3A_62 = vector.load %arg10[%get3A_60, %get3A_61] : memref<128x256xf32, #tpu.memory_space<vmem>>, vector<128x256xf32>
      %dot_general3A_63 = arith.constant dense<0.000000e+00> : vector<128x256xf32>
      %dot_general3A_64 = tpu.matmul %select_n3A, %mul3A_26, %dot_general3A_63 {dimension_numbers = #tpu.dot_dimension_numbers<[1], [0], [0], [1], [0, 0, 1, 1], [], []>, transpose_lhs_hint = false} : vector<128x1600xf32>, vector<1600x256xf32>, vector<128x256xf32> -> vector<128x256xf32>
      %add3A_65 = arith.addf %get3A_62, %dot_general3A_64 : vector<128x256xf32>
      %swap3A_66 = arith.constant 0 : index
      %swap3A_67 = arith.constant 0 : index
      %swap3A_68 = vector.load %arg10[%swap3A_66, %swap3A_67] : memref<128x256xf32, #tpu.memory_space<vmem>>, vector<128x256xf32>
      tpu.vector_store %arg10[%swap3A_66, %swap3A_67], %add3A_65 {strides = array<i32>} : memref<128x256xf32, #tpu.memory_space<vmem>>, vector<128x256xf32>,
      %get3A_69 = arith.constant 0 : index
      %get3A_70 = arith.constant 0 : index
      %get3A_71 = vector.load %arg11[%get3A_69, %get3A_70] : memref<128x1xf32, #tpu.memory_space<vmem>>, vector<128x1xf32>
      %reduce_sum3A = arith.constant dense<0.000000e+00> : vector<128xf32>
      %reduce_sum3A_72 = vector.multi_reduction <add>, %select_n3A, %reduce_sum3A [1] : vector<128x1600xf32> to vector<128xf32>
      %broadcast_in_dim3A_73 = vector.shape_cast %reduce_sum3A_72 : vector<128xf32> to vector<128x1xf32>
      %add3A_74 = arith.addf %get3A_71, %broadcast_in_dim3A_73 : vector<128x1xf32>
      %swap3A_75 = arith.constant 0 : index
      %swap3A_76 = arith.constant 0 : index
      %swap3A_77 = vector.load %arg11[%swap3A_75, %swap3A_76] : memref<128x1xf32, #tpu.memory_space<vmem>>, vector<128x1xf32>
      tpu.vector_store %arg11[%swap3A_75, %swap3A_76], %add3A_74 {strides = array<i32>} : memref<128x1xf32, #tpu.memory_space<vmem>>, vector<128x1xf32>,
    } else {
    }
    return
  }
  func.func @transform_0(%arg0: i32) -> (i32, i32) {
    %c0_i32 = arith.constant 0 : i32
    %c0_i32_0 = arith.constant 0 : i32
    return %arg0, %c0_i32 : i32, i32
  }
  func.func @transform_1(%arg0: i32) -> (i32, i32) {
    %c0_i32 = arith.constant 0 : i32
    %c0_i32_0 = arith.constant 0 : i32
    return %arg0, %c0_i32 : i32, i32
  }
  func.func @transform_2(%arg0: i32) -> (i32, i32) {
    %c0_i32 = arith.constant 0 : i32
    %c0_i32_0 = arith.constant 0 : i32
    return %arg0, %c0_i32 : i32, i32
  }
  func.func @transform_3(%arg0: i32) -> (i32, i32, i32) {
    %c0_i32 = arith.constant 0 : i32
    %c0_i32_0 = arith.constant 0 : i32
    %c0_i32_1 = arith.constant 0 : i32
    return %arg0, %c0_i32, %c0_i32_0 : i32, i32, i32
  }
  func.func @transform_4(%arg0: i32) -> (i32, i32, i32) {
    %c0_i32 = arith.constant 0 : i32
    %c0_i32_0 = arith.constant 0 : i32
    %c0_i32_1 = arith.constant 0 : i32
    return %arg0, %c0_i32, %c0_i32_0 : i32, i32, i32
  }
  func.func @transform_5(%arg0: i32) -> (i32, i32) {
    %c0_i32 = arith.constant 0 : i32
    %c0_i32_0 = arith.constant 0 : i32
    %c0_i32_1 = arith.constant 0 : i32
    return %c0_i32, %c0_i32_0 : i32, i32
  }
  func.func @transform_6(%arg0: i32) -> (i32, i32) {
    %c0_i32 = arith.constant 0 : i32
    %c0_i32_0 = arith.constant 0 : i32
    %c0_i32_1 = arith.constant 0 : i32
    return %c0_i32, %c0_i32_0 : i32, i32
  }
  func.func @transform_7(%arg0: i32) -> (i32, i32) {
    %c0_i32 = arith.constant 0 : i32
    %c0_i32_0 = arith.constant 0 : i32
    %c0_i32_1 = arith.constant 0 : i32
    return %c0_i32, %c0_i32_0 : i32, i32
  }
  func.func @transform_8(%arg0: i32) -> (i32, i32) {
    %c0_i32 = arith.constant 0 : i32
    %c0_i32_0 = arith.constant 0 : i32
    %c0_i32_1 = arith.constant 0 : i32
    return %c0_i32, %c0_i32_0 : i32, i32
  }
  func.func @transform_9(%arg0: i32) -> (i32, i32) {
    %c0_i32 = arith.constant 0 : i32
    %c0_i32_0 = arith.constant 0 : i32
    %c0_i32_1 = arith.constant 0 : i32
    return %c0_i32, %c0_i32_0 : i32, i32
  }
  func.func @transform_10(%arg0: i32) -> (i32, i32) {
    %c0_i32 = arith.constant 0 : i32
    %c0_i32_0 = arith.constant 0 : i32
    %c0_i32_1 = arith.constant 0 : i32
    return %c0_i32, %c0_i32_0 : i32, i32
  }
}

module attributes {stable_mosaic.version = 14 : i64} {
  func.func @_k2s_body(%arg0: memref<128x256xf32, #tpu.memory_space<vmem>>, %arg1: memref<128x256xf32, #tpu.memory_space<vmem>>, %arg2: memref<128x1xf32, #tpu.memory_space<vmem>>, %arg3: memref<1x256xf32, #tpu.memory_space<vmem>>, %arg4: memref<1x256xf32, #tpu.memory_space<vmem>>, %arg5: memref<128x256xf32, #tpu.memory_space<vmem>>, %arg6: memref<128x256xf32, #tpu.memory_space<vmem>>) attributes {dimension_semantics = [], scalar_prefetch = 0 : i64, scratch_operands = 0 : i64, tpu.core_type = #tpu.core_type<tc>} {
    %get3A = arith.constant 0 : index
    %get3A_0 = arith.constant 0 : index
    %get3A_1 = vector.load %arg2[%get3A, %get3A_0] : memref<128x1xf32, #tpu.memory_space<vmem>>, vector<128x1xf32>
    %max3A = arith.constant 1.000000e+00 : f32
    %max3A_2 = vector.broadcast %max3A : f32 to vector<128x1xf32>
    %max3A_3 = arith.maximumf %get3A_1, %max3A_2 : vector<128x1xf32>
    %get3A_4 = arith.constant 0 : index
    %get3A_5 = arith.constant 0 : index
    %get3A_6 = vector.load %arg0[%get3A_4, %get3A_5] : memref<128x256xf32, #tpu.memory_space<vmem>>, vector<128x256xf32>
    %div3A = vector.broadcast %max3A_3 : vector<128x1xf32> to vector<128x256xf32>
    %div3A_7 = arith.divf %get3A_6, %div3A : vector<128x256xf32>
    %get3A_8 = arith.constant 0 : index
    %get3A_9 = arith.constant 0 : index
    %get3A_10 = vector.load %arg1[%get3A_8, %get3A_9] : memref<128x256xf32, #tpu.memory_space<vmem>>, vector<128x256xf32>
    %div3A_11 = vector.broadcast %max3A_3 : vector<128x1xf32> to vector<128x256xf32>
    %div3A_12 = arith.divf %get3A_10, %div3A_11 : vector<128x256xf32>
    %mul3A = arith.mulf %div3A_7, %div3A_7 : vector<128x256xf32>
    %sub3A = arith.subf %div3A_12, %mul3A : vector<128x256xf32>
    %max3A_13 = arith.constant 0.000000e+00 : f32
    %max3A_14 = vector.broadcast %max3A_13 : f32 to vector<128x256xf32>
    %max3A_15 = arith.maximumf %sub3A, %max3A_14 : vector<128x256xf32>
    %get3A_16 = arith.constant 0 : index
    %get3A_17 = arith.constant 0 : index
    %get3A_18 = vector.load %arg3[%get3A_16, %get3A_17] : memref<1x256xf32, #tpu.memory_space<vmem>>, vector<1x256xf32>
    %add3A = arith.constant 9.99999974E-6 : f32
    %add3A_19 = vector.broadcast %add3A : f32 to vector<128x256xf32>
    %add3A_20 = arith.addf %max3A_15, %add3A_19 : vector<128x256xf32>
    %sqrt3A = math.sqrt %add3A_20 : vector<128x256xf32>
    %div3A_21 = vector.broadcast %get3A_18 : vector<1x256xf32> to vector<128x256xf32>
    %div3A_22 = arith.divf %div3A_21, %sqrt3A : vector<128x256xf32>
    %swap3A = arith.constant 0 : index
    %swap3A_23 = arith.constant 0 : index
    %swap3A_24 = vector.load %arg5[%swap3A, %swap3A_23] : memref<128x256xf32, #tpu.memory_space<vmem>>, vector<128x256xf32>
    tpu.vector_store %arg5[%swap3A, %swap3A_23], %div3A_22 {strides = array<i32>} : memref<128x256xf32, #tpu.memory_space<vmem>>, vector<128x256xf32>,
    %get3A_25 = arith.constant 0 : index
    %get3A_26 = arith.constant 0 : index
    %get3A_27 = vector.load %arg4[%get3A_25, %get3A_26] : memref<1x256xf32, #tpu.memory_space<vmem>>, vector<1x256xf32>
    %mul3A_28 = arith.mulf %div3A_7, %div3A_22 : vector<128x256xf32>
    %sub3A_29 = vector.broadcast %get3A_27 : vector<1x256xf32> to vector<128x256xf32>
    %sub3A_30 = arith.subf %sub3A_29, %mul3A_28 : vector<128x256xf32>
    %swap3A_31 = arith.constant 0 : index
    %swap3A_32 = arith.constant 0 : index
    %swap3A_33 = vector.load %arg6[%swap3A_31, %swap3A_32] : memref<128x256xf32, #tpu.memory_space<vmem>>, vector<128x256xf32>
    tpu.vector_store %arg6[%swap3A_31, %swap3A_32], %sub3A_30 {strides = array<i32>} : memref<128x256xf32, #tpu.memory_space<vmem>>, vector<128x256xf32>,
    return
  }
}

module attributes {stable_mosaic.version = 14 : i64} {
  func.func @_k2b_body(%arg0: i32, %arg1: memref<1600x256xf32, #tpu.memory_space<vmem>>, %arg2: memref<1600x16xf32, #tpu.memory_space<vmem>>, %arg3: memref<1600x16xf32, #tpu.memory_space<vmem>>, %arg4: memref<1x1600x1xi32, #tpu.memory_space<vmem>>, %arg5: memref<1x1x1600xi32, #tpu.memory_space<smem>>, %arg6: memref<256x256xf32, #tpu.memory_space<vmem>>, %arg7: memref<16x16xf32, #tpu.memory_space<vmem>>, %arg8: memref<16x256xf32, #tpu.memory_space<vmem>>, %arg9: memref<128x256xf32, #tpu.memory_space<vmem>>, %arg10: memref<128x256xf32, #tpu.memory_space<vmem>>, %arg11: memref<1x128xf32, #tpu.memory_space<vmem>>, %arg12: memref<1x128xf32, #tpu.memory_space<vmem>>, %arg13: memref<1x128xf32, #tpu.memory_space<vmem>>, %arg14: memref<1600x128xf32, #tpu.memory_space<vmem>>) attributes {dimension_semantics = [#tpu.dimension_semantics<arbitrary>], iteration_bounds = array<i64: 200>, scalar_prefetch = 0 : i64, scratch_operands = 0 : i64, tpu.core_type = #tpu.core_type<tc>, window_params = [{transform_indices = @transform_0, window_bounds = array<i64: 1600, 256>}, {transform_indices = @transform_1, window_bounds = array<i64: 1600, 16>}, {transform_indices = @transform_2, window_bounds = array<i64: 1600, 16>}, {transform_indices = @transform_3, window_bounds = array<i64: 1, 1600, 1>}, {transform_indices = @transform_4, window_bounds = array<i64: 1, 1, 1600>}, {pipeline_mode = #tpu.pipeline_mode<synchronous>, transform_indices = @transform_5, window_bounds = array<i64: 256, 256>}, {pipeline_mode = #tpu.pipeline_mode<synchronous>, transform_indices = @transform_6, window_bounds = array<i64: 16, 16>}, {pipeline_mode = #tpu.pipeline_mode<synchronous>, transform_indices = @transform_7, window_bounds = array<i64: 16, 256>}, {pipeline_mode = #tpu.pipeline_mode<synchronous>, transform_indices = @transform_8, window_bounds = array<i64: 128, 256>}, {pipeline_mode = #tpu.pipeline_mode<synchronous>, transform_indices = @transform_9, window_bounds = array<i64: 128, 256>}, {pipeline_mode = #tpu.pipeline_mode<synchronous>, transform_indices = @transform_10, window_bounds = array<i64: 1, 128>}, {pipeline_mode = #tpu.pipeline_mode<synchronous>, transform_indices = @transform_11, window_bounds = array<i64: 1, 128>}, {pipeline_mode = #tpu.pipeline_mode<synchronous>, transform_indices = @transform_12, window_bounds = array<i64: 1, 128>}, {transform_indices = @transform_13, window_bounds = array<i64: 1600, 128>}]} {
    %get3A = arith.constant 0 : index
    %get3A_0 = arith.constant 0 : index
    %get3A_1 = vector.load %arg2[%get3A, %get3A_0] : memref<1600x16xf32, #tpu.memory_space<vmem>>, vector<1600x16xf32>
    %get3A_2 = arith.constant 0 : index
    %get3A_3 = arith.constant 0 : index
    %get3A_4 = vector.load %arg3[%get3A_2, %get3A_3] : memref<1600x16xf32, #tpu.memory_space<vmem>>, vector<1600x16xf32>
    %get3A_5 = arith.constant 0 : index
    %get3A_6 = arith.constant 0 : index
    %get3A_7 = vector.load %arg7[%get3A_5, %get3A_6] : memref<16x16xf32, #tpu.memory_space<vmem>>, vector<16x16xf32>
    %dot_general3A = arith.constant dense<0.000000e+00> : vector<1600x16xf32>
    %dot_general3A_8 = tpu.matmul %get3A_4, %get3A_7, %dot_general3A {dimension_numbers = #tpu.dot_dimension_numbers<[1], [0], [0], [1], [0, 0, 1, 1], [], []>, transpose_lhs_hint = false} : vector<1600x16xf32>, vector<16x16xf32>, vector<1600x16xf32> -> vector<1600x16xf32>
    %mul3A = arith.mulf %get3A_1, %dot_general3A_8 : vector<1600x16xf32>
    %get3A_9 = arith.constant 0 : index
    %get3A_10 = arith.constant 0 : index
    %get3A_11 = vector.load %arg1[%get3A_9, %get3A_10] : memref<1600x256xf32, #tpu.memory_space<vmem>>, vector<1600x256xf32>
    %convert_element_type3A = arith.truncf %get3A_11 : vector<1600x256xf32> to vector<1600x256xbf16>
    %get3A_12 = arith.constant 0 : index
    %get3A_13 = arith.constant 0 : index
    %get3A_14 = vector.load %arg6[%get3A_12, %get3A_13] : memref<256x256xf32, #tpu.memory_space<vmem>>, vector<256x256xf32>
    %convert_element_type3A_15 = arith.truncf %get3A_14 : vector<256x256xf32> to vector<256x256xbf16>
    %dot_general3A_16 = arith.constant dense<0.000000e+00> : vector<1600x256xf32>
    %dot_general3A_17 = tpu.matmul %convert_element_type3A, %convert_element_type3A_15, %dot_general3A_16 {dimension_numbers = #tpu.dot_dimension_numbers<[1], [0], [0], [1], [0, 0, 1, 1], [], []>, transpose_lhs_hint = false} : vector<1600x256xbf16>, vector<256x256xbf16>, vector<1600x256xf32> -> vector<1600x256xf32>
    %get3A_18 = arith.constant 0 : index
    %get3A_19 = arith.constant 0 : index
    %get3A_20 = vector.load %arg8[%get3A_18, %get3A_19] : memref<16x256xf32, #tpu.memory_space<vmem>>, vector<16x256xf32>
    %dot_general3A_21 = arith.constant dense<0.000000e+00> : vector<1600x256xf32>
    %dot_general3A_22 = tpu.matmul %mul3A, %get3A_20, %dot_general3A_21 {dimension_numbers = #tpu.dot_dimension_numbers<[1], [0], [0], [1], [0, 0, 1, 1], [], []>, transpose_lhs_hint = false} : vector<1600x16xf32>, vector<16x256xf32>, vector<1600x256xf32> -> vector<1600x256xf32>
    %add3A = arith.addf %dot_general3A_17, %dot_general3A_22 : vector<1600x256xf32>
    %get3A_23 = arith.constant 0 : index
    %get3A_24 = arith.constant 0 : index
    %get3A_25 = arith.constant 0 : index
    %get3A_26 = memref.load %arg5[%get3A_23, %get3A_24, %get3A_25] : memref<1x1x1600xi32, #tpu.memory_space<smem>>
    %get3A_27 = arith.constant 0 : index
    %get3A_28 = arith.constant 0 : index
    %get3A_29 = arith.constant 1599 : index
    %get3A_30 = memref.load %arg5[%get3A_27, %get3A_28, %get3A_29] : memref<1x1x1600xi32, #tpu.memory_space<smem>>
    %eq3A = arith.cmpi eq, %get3A_26, %get3A_30 : i32
    %convert_element_type3A_31 = arith.extui %eq3A : i1 to i32
    %cond3A = arith.constant 0 : i32
    %cond3A_32 = arith.cmpi ne, %convert_element_type3A_31, %cond3A : i32
    scf.if %cond3A_32 {
      %get3A_36 = arith.index_cast %get3A_26 : i32 to index
      %get3A_37 = arith.constant 0 : index
      %get3A_38 = vector.load %arg9[%get3A_36, %get3A_37] : memref<128x256xf32, #tpu.memory_space<vmem>>, vector<1x256xf32>
      %get3A_39 = arith.index_cast %get3A_26 : i32 to index
      %get3A_40 = arith.constant 0 : index
      %get3A_41 = vector.load %arg10[%get3A_39, %get3A_40] : memref<128x256xf32, #tpu.memory_space<vmem>>, vector<1x256xf32>
      %mul3A_42 = vector.broadcast %get3A_38 : vector<1x256xf32> to vector<1600x256xf32>
      %mul3A_43 = arith.mulf %add3A, %mul3A_42 : vector<1600x256xf32>
      %add3A_44 = vector.broadcast %get3A_41 : vector<1x256xf32> to vector<1600x256xf32>
      %add3A_45 = arith.addf %mul3A_43, %add3A_44 : vector<1600x256xf32>
      %slice3A = vector.extract_strided_slice %add3A_45 {offsets = [0, 0], sizes = [1600, 128], strides = [1, 1]} : vector<1600x256xf32> to vector<1600x128xf32>
      %slice3A_46 = vector.extract_strided_slice %add3A_45 {offsets = [0, 128], sizes = [1600, 128], strides = [1, 1]} : vector<1600x256xf32> to vector<1600x128xf32>
      %get3A_47 = arith.constant 0 : index
      %get3A_48 = arith.constant 0 : index
      %get3A_49 = vector.load %arg11[%get3A_47, %get3A_48] : memref<1x128xf32, #tpu.memory_space<vmem>>, vector<1x128xf32>
      %mul3A_50 = vector.broadcast %get3A_49 : vector<1x128xf32> to vector<1600x128xf32>
      %mul3A_51 = arith.mulf %slice3A, %mul3A_50 : vector<1600x128xf32>
      %reduce_sum3A = arith.constant dense<0.000000e+00> : vector<1600xf32>
      %reduce_sum3A_52 = vector.multi_reduction <add>, %mul3A_51, %reduce_sum3A [1] : vector<1600x128xf32> to vector<1600xf32>
      %broadcast_in_dim3A = vector.shape_cast %reduce_sum3A_52 : vector<1600xf32> to vector<1600x1xf32>
      %logistic3A = arith.negf %broadcast_in_dim3A : vector<1600x1xf32>
      %logistic3A_53 = math.exp %logistic3A : vector<1600x1xf32>
      %logistic3A_54 = arith.constant 1.000000e+00 : f32
      %logistic3A_55 = vector.broadcast %logistic3A_54 : f32 to vector<1600x1xf32>
      %logistic3A_56 = arith.addf %logistic3A_55, %logistic3A_53 : vector<1600x1xf32>
      %logistic3A_57 = arith.divf %logistic3A_55, %logistic3A_56 : vector<1600x1xf32>
      %reduce_sum3A_58 = arith.constant dense<0.000000e+00> : vector<1600xf32>
      %reduce_sum3A_59 = vector.multi_reduction <add>, %slice3A_46, %reduce_sum3A_58 [1] : vector<1600x128xf32> to vector<1600xf32>
      %broadcast_in_dim3A_60 = vector.shape_cast %reduce_sum3A_59 : vector<1600xf32> to vector<1600x1xf32>
      %div3A = arith.constant 1.280000e+02 : f32
      %div3A_61 = vector.broadcast %div3A : f32 to vector<1600x1xf32>
      %div3A_62 = arith.divf %broadcast_in_dim3A_60, %div3A_61 : vector<1600x1xf32>
      %sub3A = vector.broadcast %div3A_62 : vector<1600x1xf32> to vector<1600x128xf32>
      %sub3A_63 = arith.subf %slice3A_46, %sub3A : vector<1600x128xf32>
      %integer_pow3A = arith.mulf %sub3A_63, %sub3A_63 : vector<1600x128xf32>
      %reduce_sum3A_64 = arith.constant dense<0.000000e+00> : vector<1600xf32>
      %reduce_sum3A_65 = vector.multi_reduction <add>, %integer_pow3A, %reduce_sum3A_64 [1] : vector<1600x128xf32> to vector<1600xf32>
      %broadcast_in_dim3A_66 = vector.shape_cast %reduce_sum3A_65 : vector<1600xf32> to vector<1600x1xf32>
      %div3A_67 = arith.constant 1.280000e+02 : f32
      %div3A_68 = vector.broadcast %div3A_67 : f32 to vector<1600x1xf32>
      %div3A_69 = arith.divf %broadcast_in_dim3A_66, %div3A_68 : vector<1600x1xf32>
      %sub3A_70 = vector.broadcast %div3A_62 : vector<1600x1xf32> to vector<1600x128xf32>
      %sub3A_71 = arith.subf %slice3A_46, %sub3A_70 : vector<1600x128xf32>
      %add3A_72 = arith.constant 9.99999974E-6 : f32
      %add3A_73 = vector.broadcast %add3A_72 : f32 to vector<1600x1xf32>
      %add3A_74 = arith.addf %div3A_69, %add3A_73 : vector<1600x1xf32>
      %sqrt3A = math.sqrt %add3A_74 : vector<1600x1xf32>
      %div3A_75 = vector.broadcast %sqrt3A : vector<1600x1xf32> to vector<1600x128xf32>
      %div3A_76 = arith.divf %sub3A_71, %div3A_75 : vector<1600x128xf32>
      %get3A_77 = arith.constant 0 : index
      %get3A_78 = arith.constant 0 : index
      %get3A_79 = vector.load %arg12[%get3A_77, %get3A_78] : memref<1x128xf32, #tpu.memory_space<vmem>>, vector<1x128xf32>
      %mul3A_80 = vector.broadcast %get3A_79 : vector<1x128xf32> to vector<1600x128xf32>
      %mul3A_81 = arith.mulf %div3A_76, %mul3A_80 : vector<1600x128xf32>
      %get3A_82 = arith.constant 0 : index
      %get3A_83 = arith.constant 0 : index
      %get3A_84 = vector.load %arg13[%get3A_82, %get3A_83] : memref<1x128xf32, #tpu.memory_space<vmem>>, vector<1x128xf32>
      %add3A_85 = vector.broadcast %get3A_84 : vector<1x128xf32> to vector<1600x128xf32>
      %add3A_86 = arith.addf %mul3A_81, %add3A_85 : vector<1600x128xf32>
      %logistic3A_87 = arith.negf %add3A_86 : vector<1600x128xf32>
      %logistic3A_88 = math.exp %logistic3A_87 : vector<1600x128xf32>
      %logistic3A_89 = arith.constant 1.000000e+00 : f32
      %logistic3A_90 = vector.broadcast %logistic3A_89 : f32 to vector<1600x128xf32>
      %logistic3A_91 = arith.addf %logistic3A_90, %logistic3A_88 : vector<1600x128xf32>
      %logistic3A_92 = arith.divf %logistic3A_90, %logistic3A_91 : vector<1600x128xf32>
      %mul3A_93 = arith.mulf %add3A_86, %logistic3A_92 : vector<1600x128xf32>
      %mul3A_94 = vector.broadcast %logistic3A_57 : vector<1600x1xf32> to vector<1600x128xf32>
      %mul3A_95 = arith.mulf %mul3A_94, %mul3A_93 : vector<1600x128xf32>
      %swap3A = arith.constant 0 : index
      %swap3A_96 = arith.constant 0 : index
      %swap3A_97 = vector.load %arg14[%swap3A, %swap3A_96] : memref<1600x128xf32, #tpu.memory_space<vmem>>, vector<1600x128xf32>
      tpu.vector_store %arg14[%swap3A, %swap3A_96], %mul3A_95 {strides = array<i32>} : memref<1600x128xf32, #tpu.memory_space<vmem>>, vector<1600x128xf32>,
    } else {
    }
    %ne3A = arith.cmpi ne, %get3A_26, %get3A_30 : i32
    %convert_element_type3A_33 = arith.extui %ne3A : i1 to i32
    %cond3A_34 = arith.constant 0 : i32
    %cond3A_35 = arith.cmpi ne, %convert_element_type3A_33, %cond3A_34 : i32
    scf.if %cond3A_35 {
      %get3A_36 = arith.constant 0 : index
      %get3A_37 = arith.constant 0 : index
      %get3A_38 = arith.constant 0 : index
      %get3A_39 = vector.load %arg4[%get3A_36, %get3A_37, %get3A_38] : memref<1x1600x1xi32, #tpu.memory_space<vmem>>, vector<1x1600x1xi32>
      %get3A_40 = vector.shape_cast %get3A_39 : vector<1x1600x1xi32> to vector<1600x1xi32>
      %iota3A = tpu.iota {dimensions = array<i32: 1>} : vector<1600x128xi32>
      %broadcast_in_dim3A = vector.shape_cast %get3A_40 : vector<1600x1xi32> to vector<1600x1xi32>
      %broadcast_in_dim3A_41 = vector.broadcast %broadcast_in_dim3A : vector<1600x1xi32> to vector<1600x128xi32>
      %eq3A_42 = arith.cmpi eq, %iota3A, %broadcast_in_dim3A_41 : vector<1600x128xi32>
      %jit3A = arith.constant 1.000000e+00 : f32
      %jit3A_43 = arith.constant 0.000000e+00 : f32
      %broadcast_in_dim3A_44 = vector.broadcast %jit3A : f32 to vector<1600x128xf32>
      %broadcast_in_dim3A_45 = vector.broadcast %jit3A_43 : f32 to vector<1600x128xf32>
      %select_n3A = arith.select %eq3A_42, %broadcast_in_dim3A_44, %broadcast_in_dim3A_45 : vector<1600x128xi1>, vector<1600x128xf32>
      %get3A_46 = arith.constant 0 : index
      %get3A_47 = arith.constant 0 : index
      %get3A_48 = vector.load %arg9[%get3A_46, %get3A_47] : memref<128x256xf32, #tpu.memory_space<vmem>>, vector<128x256xf32>
      %dot_general3A_49 = arith.constant dense<0.000000e+00> : vector<1600x256xf32>
      %dot_general3A_50 = tpu.matmul %select_n3A, %get3A_48, %dot_general3A_49 {dimension_numbers = #tpu.dot_dimension_numbers<[1], [0], [0], [1], [0, 0, 1, 1], [], []>, transpose_lhs_hint = false} : vector<1600x128xf32>, vector<128x256xf32>, vector<1600x256xf32> -> vector<1600x256xf32>
      %get3A_51 = arith.constant 0 : index
      %get3A_52 = arith.constant 0 : index
      %get3A_53 = vector.load %arg10[%get3A_51, %get3A_52] : memref<128x256xf32, #tpu.memory_space<vmem>>, vector<128x256xf32>
      %dot_general3A_54 = arith.constant dense<0.000000e+00> : vector<1600x256xf32>
      %dot_general3A_55 = tpu.matmul %select_n3A, %get3A_53, %dot_general3A_54 {dimension_numbers = #tpu.dot_dimension_numbers<[1], [0], [0], [1], [0, 0, 1, 1], [], []>, transpose_lhs_hint = false} : vector<1600x128xf32>, vector<128x256xf32>, vector<1600x256xf32> -> vector<1600x256xf32>
      %mul3A_56 = arith.mulf %add3A, %dot_general3A_50 : vector<1600x256xf32>
      %add3A_57 = arith.addf %mul3A_56, %dot_general3A_55 : vector<1600x256xf32>
      %slice3A = vector.extract_strided_slice %add3A_57 {offsets = [0, 0], sizes = [1600, 128], strides = [1, 1]} : vector<1600x256xf32> to vector<1600x128xf32>
      %slice3A_58 = vector.extract_strided_slice %add3A_57 {offsets = [0, 128], sizes = [1600, 128], strides = [1, 1]} : vector<1600x256xf32> to vector<1600x128xf32>
      %get3A_59 = arith.constant 0 : index
      %get3A_60 = arith.constant 0 : index
      %get3A_61 = vector.load %arg11[%get3A_59, %get3A_60] : memref<1x128xf32, #tpu.memory_space<vmem>>, vector<1x128xf32>
      %mul3A_62 = vector.broadcast %get3A_61 : vector<1x128xf32> to vector<1600x128xf32>
      %mul3A_63 = arith.mulf %slice3A, %mul3A_62 : vector<1600x128xf32>
      %reduce_sum3A = arith.constant dense<0.000000e+00> : vector<1600xf32>
      %reduce_sum3A_64 = vector.multi_reduction <add>, %mul3A_63, %reduce_sum3A [1] : vector<1600x128xf32> to vector<1600xf32>
      %broadcast_in_dim3A_65 = vector.shape_cast %reduce_sum3A_64 : vector<1600xf32> to vector<1600x1xf32>
      %logistic3A = arith.negf %broadcast_in_dim3A_65 : vector<1600x1xf32>
      %logistic3A_66 = math.exp %logistic3A : vector<1600x1xf32>
      %logistic3A_67 = arith.constant 1.000000e+00 : f32
      %logistic3A_68 = vector.broadcast %logistic3A_67 : f32 to vector<1600x1xf32>
      %logistic3A_69 = arith.addf %logistic3A_68, %logistic3A_66 : vector<1600x1xf32>
      %logistic3A_70 = arith.divf %logistic3A_68, %logistic3A_69 : vector<1600x1xf32>
      %reduce_sum3A_71 = arith.constant dense<0.000000e+00> : vector<1600xf32>
      %reduce_sum3A_72 = vector.multi_reduction <add>, %slice3A_58, %reduce_sum3A_71 [1] : vector<1600x128xf32> to vector<1600xf32>
      %broadcast_in_dim3A_73 = vector.shape_cast %reduce_sum3A_72 : vector<1600xf32> to vector<1600x1xf32>
      %div3A = arith.constant 1.280000e+02 : f32
      %div3A_74 = vector.broadcast %div3A : f32 to vector<1600x1xf32>
      %div3A_75 = arith.divf %broadcast_in_dim3A_73, %div3A_74 : vector<1600x1xf32>
      %sub3A = vector.broadcast %div3A_75 : vector<1600x1xf32> to vector<1600x128xf32>
      %sub3A_76 = arith.subf %slice3A_58, %sub3A : vector<1600x128xf32>
      %integer_pow3A = arith.mulf %sub3A_76, %sub3A_76 : vector<1600x128xf32>
      %reduce_sum3A_77 = arith.constant dense<0.000000e+00> : vector<1600xf32>
      %reduce_sum3A_78 = vector.multi_reduction <add>, %integer_pow3A, %reduce_sum3A_77 [1] : vector<1600x128xf32> to vector<1600xf32>
      %broadcast_in_dim3A_79 = vector.shape_cast %reduce_sum3A_78 : vector<1600xf32> to vector<1600x1xf32>
      %div3A_80 = arith.constant 1.280000e+02 : f32
      %div3A_81 = vector.broadcast %div3A_80 : f32 to vector<1600x1xf32>
      %div3A_82 = arith.divf %broadcast_in_dim3A_79, %div3A_81 : vector<1600x1xf32>
      %sub3A_83 = vector.broadcast %div3A_75 : vector<1600x1xf32> to vector<1600x128xf32>
      %sub3A_84 = arith.subf %slice3A_58, %sub3A_83 : vector<1600x128xf32>
      %add3A_85 = arith.constant 9.99999974E-6 : f32
      %add3A_86 = vector.broadcast %add3A_85 : f32 to vector<1600x1xf32>
      %add3A_87 = arith.addf %div3A_82, %add3A_86 : vector<1600x1xf32>
      %sqrt3A = math.sqrt %add3A_87 : vector<1600x1xf32>
      %div3A_88 = vector.broadcast %sqrt3A : vector<1600x1xf32> to vector<1600x128xf32>
      %div3A_89 = arith.divf %sub3A_84, %div3A_88 : vector<1600x128xf32>
      %get3A_90 = arith.constant 0 : index
      %get3A_91 = arith.constant 0 : index
      %get3A_92 = vector.load %arg12[%get3A_90, %get3A_91] : memref<1x128xf32, #tpu.memory_space<vmem>>, vector<1x128xf32>
      %mul3A_93 = vector.broadcast %get3A_92 : vector<1x128xf32> to vector<1600x128xf32>
      %mul3A_94 = arith.mulf %div3A_89, %mul3A_93 : vector<1600x128xf32>
      %get3A_95 = arith.constant 0 : index
      %get3A_96 = arith.constant 0 : index
      %get3A_97 = vector.load %arg13[%get3A_95, %get3A_96] : memref<1x128xf32, #tpu.memory_space<vmem>>, vector<1x128xf32>
      %add3A_98 = vector.broadcast %get3A_97 : vector<1x128xf32> to vector<1600x128xf32>
      %add3A_99 = arith.addf %mul3A_94, %add3A_98 : vector<1600x128xf32>
      %logistic3A_100 = arith.negf %add3A_99 : vector<1600x128xf32>
      %logistic3A_101 = math.exp %logistic3A_100 : vector<1600x128xf32>
      %logistic3A_102 = arith.constant 1.000000e+00 : f32
      %logistic3A_103 = vector.broadcast %logistic3A_102 : f32 to vector<1600x128xf32>
      %logistic3A_104 = arith.addf %logistic3A_103, %logistic3A_101 : vector<1600x128xf32>
      %logistic3A_105 = arith.divf %logistic3A_103, %logistic3A_104 : vector<1600x128xf32>
      %mul3A_106 = arith.mulf %add3A_99, %logistic3A_105 : vector<1600x128xf32>
      %mul3A_107 = vector.broadcast %logistic3A_70 : vector<1600x1xf32> to vector<1600x128xf32>
      %mul3A_108 = arith.mulf %mul3A_107, %mul3A_106 : vector<1600x128xf32>
      %swap3A = arith.constant 0 : index
      %swap3A_109 = arith.constant 0 : index
      %swap3A_110 = vector.load %arg14[%swap3A, %swap3A_109] : memref<1600x128xf32, #tpu.memory_space<vmem>>, vector<1600x128xf32>
      tpu.vector_store %arg14[%swap3A, %swap3A_109], %mul3A_108 {strides = array<i32>} : memref<1600x128xf32, #tpu.memory_space<vmem>>, vector<1600x128xf32>,
    } else {
    }
    return
  }
  func.func @transform_0(%arg0: i32) -> (i32, i32) {
    %c0_i32 = arith.constant 0 : i32
    %c0_i32_0 = arith.constant 0 : i32
    return %arg0, %c0_i32 : i32, i32
  }
  func.func @transform_1(%arg0: i32) -> (i32, i32) {
    %c0_i32 = arith.constant 0 : i32
    %c0_i32_0 = arith.constant 0 : i32
    return %arg0, %c0_i32 : i32, i32
  }
  func.func @transform_2(%arg0: i32) -> (i32, i32) {
    %c0_i32 = arith.constant 0 : i32
    %c0_i32_0 = arith.constant 0 : i32
    return %arg0, %c0_i32 : i32, i32
  }
  func.func @transform_3(%arg0: i32) -> (i32, i32, i32) {
    %c0_i32 = arith.constant 0 : i32
    %c0_i32_0 = arith.constant 0 : i32
    %c0_i32_1 = arith.constant 0 : i32
    return %arg0, %c0_i32, %c0_i32_0 : i32, i32, i32
  }
  func.func @transform_4(%arg0: i32) -> (i32, i32, i32) {
    %c0_i32 = arith.constant 0 : i32
    %c0_i32_0 = arith.constant 0 : i32
    %c0_i32_1 = arith.constant 0 : i32
    return %arg0, %c0_i32, %c0_i32_0 : i32, i32, i32
  }
  func.func @transform_5(%arg0: i32) -> (i32, i32) {
    %c0_i32 = arith.constant 0 : i32
    %c0_i32_0 = arith.constant 0 : i32
    %c0_i32_1 = arith.constant 0 : i32
    return %c0_i32, %c0_i32_0 : i32, i32
  }
  func.func @transform_6(%arg0: i32) -> (i32, i32) {
    %c0_i32 = arith.constant 0 : i32
    %c0_i32_0 = arith.constant 0 : i32
    %c0_i32_1 = arith.constant 0 : i32
    return %c0_i32, %c0_i32_0 : i32, i32
  }
  func.func @transform_7(%arg0: i32) -> (i32, i32) {
    %c0_i32 = arith.constant 0 : i32
    %c0_i32_0 = arith.constant 0 : i32
    %c0_i32_1 = arith.constant 0 : i32
    return %c0_i32, %c0_i32_0 : i32, i32
  }
  func.func @transform_8(%arg0: i32) -> (i32, i32) {
    %c0_i32 = arith.constant 0 : i32
    %c0_i32_0 = arith.constant 0 : i32
    %c0_i32_1 = arith.constant 0 : i32
    return %c0_i32, %c0_i32_0 : i32, i32
  }
  func.func @transform_9(%arg0: i32) -> (i32, i32) {
    %c0_i32 = arith.constant 0 : i32
    %c0_i32_0 = arith.constant 0 : i32
    %c0_i32_1 = arith.constant 0 : i32
    return %c0_i32, %c0_i32_0 : i32, i32
  }
  func.func @transform_10(%arg0: i32) -> (i32, i32) {
    %c0_i32 = arith.constant 0 : i32
    %c0_i32_0 = arith.constant 0 : i32
    %c0_i32_1 = arith.constant 0 : i32
    return %c0_i32, %c0_i32_0 : i32, i32
  }
  func.func @transform_11(%arg0: i32) -> (i32, i32) {
    %c0_i32 = arith.constant 0 : i32
    %c0_i32_0 = arith.constant 0 : i32
    %c0_i32_1 = arith.constant 0 : i32
    return %c0_i32, %c0_i32_0 : i32, i32
  }
  func.func @transform_12(%arg0: i32) -> (i32, i32) {
    %c0_i32 = arith.constant 0 : i32
    %c0_i32_0 = arith.constant 0 : i32
    %c0_i32_1 = arith.constant 0 : i32
    return %c0_i32, %c0_i32_0 : i32, i32
  }
  func.func @transform_13(%arg0: i32) -> (i32, i32) {
    %c0_i32 = arith.constant 0 : i32
    %c0_i32_0 = arith.constant 0 : i32
    return %arg0, %c0_i32 : i32, i32
  }
}

module attributes {stable_mosaic.version = 14 : i64} {
  func.func @_k4_body(%arg0: i32, %arg1: memref<400x128xf32, #tpu.memory_space<vmem>>, %arg2: memref<400x128xf32, #tpu.memory_space<vmem>>, %arg3: memref<400x2xf32, #tpu.memory_space<vmem>>, %arg4: memref<2x128xf32, #tpu.memory_space<vmem>>, %arg5: memref<400x128xf32, #tpu.memory_space<vmem>>) attributes {dimension_semantics = [#tpu.dimension_semantics<arbitrary>], iteration_bounds = array<i64: 25>, scalar_prefetch = 0 : i64, scratch_operands = 0 : i64, tpu.core_type = #tpu.core_type<tc>, window_params = [{transform_indices = @transform_0, window_bounds = array<i64: 400, 128>}, {transform_indices = @transform_1, window_bounds = array<i64: 400, 128>}, {transform_indices = @transform_2, window_bounds = array<i64: 400, 2>}, {pipeline_mode = #tpu.pipeline_mode<synchronous>, transform_indices = @transform_3, window_bounds = array<i64: 2, 128>}, {transform_indices = @transform_4, window_bounds = array<i64: 400, 128>}]} {
    %get3A = arith.constant 0 : index
    %get3A_0 = arith.constant 0 : index
    %get3A_1 = vector.load %arg2[%get3A, %get3A_0] : memref<400x128xf32, #tpu.memory_space<vmem>>, vector<400x1xf32>
    %add3A = arith.constant 9.99999997E-7 : f32
    %add3A_2 = vector.broadcast %add3A : f32 to vector<400x1xf32>
    %add3A_3 = arith.addf %get3A_1, %add3A_2 : vector<400x1xf32>
    %get3A_4 = arith.constant 0 : index
    %get3A_5 = arith.constant 0 : index
    %get3A_6 = vector.load %arg3[%get3A_4, %get3A_5] : memref<400x2xf32, #tpu.memory_space<vmem>>, vector<400x1xf32>
    %get3A_7 = arith.constant 0 : index
    %get3A_8 = arith.constant 0 : index
    %get3A_9 = vector.load %arg4[%get3A_7, %get3A_8] : memref<2x128xf32, #tpu.memory_space<vmem>>, vector<1x128xf32>
    %mul3A = vector.broadcast %get3A_6 : vector<400x1xf32> to vector<400x128xf32>
    %mul3A_10 = vector.broadcast %get3A_9 : vector<1x128xf32> to vector<400x128xf32>
    %mul3A_11 = arith.mulf %mul3A, %mul3A_10 : vector<400x128xf32>
    %get3A_12 = arith.constant 0 : index
    %get3A_13 = arith.constant 1 : index
    %get3A_14 = vector.load %arg3[%get3A_12, %get3A_13] : memref<400x2xf32, #tpu.memory_space<vmem>>, vector<400x1xf32>
    %get3A_15 = arith.constant 1 : index
    %get3A_16 = arith.constant 0 : index
    %get3A_17 = vector.load %arg4[%get3A_15, %get3A_16] : memref<2x128xf32, #tpu.memory_space<vmem>>, vector<1x128xf32>
    %mul3A_18 = vector.broadcast %get3A_14 : vector<400x1xf32> to vector<400x128xf32>
    %mul3A_19 = vector.broadcast %get3A_17 : vector<1x128xf32> to vector<400x128xf32>
    %mul3A_20 = arith.mulf %mul3A_18, %mul3A_19 : vector<400x128xf32>
    %add3A_21 = arith.addf %mul3A_11, %mul3A_20 : vector<400x128xf32>
    %get3A_22 = arith.constant 0 : index
    %get3A_23 = arith.constant 0 : index
    %get3A_24 = vector.load %arg1[%get3A_22, %get3A_23] : memref<400x128xf32, #tpu.memory_space<vmem>>, vector<400x128xf32>
    %sqrt3A = math.sqrt %add3A_3 : vector<400x1xf32>
    %div3A = vector.broadcast %sqrt3A : vector<400x1xf32> to vector<400x128xf32>
    %div3A_25 = arith.divf %get3A_24, %div3A : vector<400x128xf32>
    %add3A_26 = arith.addf %div3A_25, %add3A_21 : vector<400x128xf32>
    %mul3A_27 = arith.constant 0.707106769 : f32
    %mul3A_28 = vector.broadcast %mul3A_27 : f32 to vector<400x128xf32>
    %mul3A_29 = arith.mulf %mul3A_28, %add3A_26 : vector<400x128xf32>
    %swap3A = arith.constant 0 : index
    %swap3A_30 = arith.constant 0 : index
    %swap3A_31 = vector.load %arg5[%swap3A, %swap3A_30] : memref<400x128xf32, #tpu.memory_space<vmem>>, vector<400x128xf32>
    tpu.vector_store %arg5[%swap3A, %swap3A_30], %mul3A_29 {strides = array<i32>} : memref<400x128xf32, #tpu.memory_space<vmem>>, vector<400x128xf32>,
    return
  }
  func.func @transform_0(%arg0: i32) -> (i32, i32) {
    %c0_i32 = arith.constant 0 : i32
    %c0_i32_0 = arith.constant 0 : i32
    return %arg0, %c0_i32 : i32, i32
  }
  func.func @transform_1(%arg0: i32) -> (i32, i32) {
    %c0_i32 = arith.constant 0 : i32
    %c0_i32_0 = arith.constant 0 : i32
    return %arg0, %c0_i32 : i32, i32
  }
  func.func @transform_2(%arg0: i32) -> (i32, i32) {
    %c0_i32 = arith.constant 0 : i32
    %c0_i32_0 = arith.constant 0 : i32
    return %arg0, %c0_i32 : i32, i32
  }
  func.func @transform_3(%arg0: i32) -> (i32, i32) {
    %c0_i32 = arith.constant 0 : i32
    %c0_i32_0 = arith.constant 0 : i32
    %c0_i32_1 = arith.constant 0 : i32
    return %c0_i32, %c0_i32_0 : i32, i32
  }
  func.func @transform_4(%arg0: i32) -> (i32, i32) {
    %c0_i32 = arith.constant 0 : i32
    %c0_i32_0 = arith.constant 0 : i32
    return %arg0, %c0_i32 : i32, i32
  }
}

</mosaic_0001>

<sc_bundles>
// kernel: kernel.12.cloned.1.call-start
scs
__scs_entry_jumppad:
0x0: {  	(pc) =	sbr.rel $0x88, $3  }
0x1: {  	(tag) =	ssettag $0x0;
	lr =	simm.s32 $0x1  }
0x2: {  	[smem:$0x3F93] =	sst lr;
	_ =	strace $0xD0000000  }
0x3: {  	_ = 	snop  }
0x4: {  	_ = 	snop  }
0x5: {  	_ = 	snop  }
0x6: {  	_ = 	snop  }
0x7: {  	_ = 	snop  }
__scs_overlays_trampoline_lowered:
0x8: {  	[smem:$0x3FA2] =	sst s0  }
0x9: {  	[smem:$0x3FA3] =	sst s1  }
0xa: {  	[smem:$0x3FA4] =	sst s2  }
0xb: {  	[smem:$0x3FA5] =	sst s3  }
0xc: {  	[smem:$0x3FA6] =	sst s4  }
0xd: {  	[smem:$0x3FA7] =	sst s5  }
0xe: {  	[smem:$0x3FA8] =	sst s6  }
0xf: {  	[smem:$0x3FA9] =	sst s7  }
0x10: {  	[smem:$0x3FAA] =	sst s8  }
0x11: {  	[smem:$0x3FAB] =	sst s9;
	s0 =	simm.s32 @!p0 $0x0  }
0x12: {  	s1 =	sld [smem:$0x3F91];
	s0 =	simm.s32 @p0 $0x1  }
0x13: {  	[smem:$0x3FAC] =	sst s0;
	s0 =	simm.s32 @!p1 $0x0  }
0x14: {  	s2 =	sld [smem:$0x3F90];
	s0 =	simm.s32 @p1 $0x1  }
0x15: {  	[smem:$0x3FAD] =	sst s0;
	s0 =	simm.s32 @!p2 $0x0  }
0x16: {  	s3 =	sld [smem:$0x3FDB];
	s0 =	simm.s32 @p2 $0x1  }
0x17: {  	s4 =	simm.s32 $0x1BF5;
	[smem:$0x3FAF] =	sst s0  }
0x18: {  	s0 =	sld [smem:$0x3F92];
	_ =	swait.ge [sflag:s4], $0x0  }
0x19: {  	s7 =	sld [smem:$0x3F93]  }
0x1a: {  	s8 =	sadd.s32 $0xFFFFE003, lr  }
0x1b: {  	s9 =	sadd.s32 $0xFFFFFEF7, lr;
	s5 =	simm.s32 $0xFFFFFFFF;
	p2 =	slt.u32 s8, $0xFFFFF086  }
0x1c: {  	p1 =	slt.u32 s9, $0xF7A;
	s5 =	simm.s32 @!p2 $0x0  }
0x1d: {  	s5 =	simm.s32 @p1 $0x1;
	p0 =	seq.s32 s7, s2  }
0x1e: {  	s7 =	smul.u32 @!p0 $0xF7A, s2;
	p2 =	seq.s32 @!p0 s5, $0x0  }
0x1f: {  	s9 =	smul.u32 $0xF7A, s1;
	s8 =	simm.s32 @!p0 $0x1BF5;
	p2 =	por !p2, p0  }
0x20: {  	[sflag:s8] =	ssyncset.s32 @!p0 $0xFFFFF086;
	s6 =	sadd.s32 @!p0 s3, s7;
	s7 =	simm.s32 @!p0 $0x108  }
0x21: {  	s3 =	sadd.s32 s3, s9;
	s6 =	sadd.s32 @!p0 $0x88, s6;
	s7 =	simm.s32 @p2 $0x1082  }
0x22: {  	[simem:s7], [sflag:s8] =	dma.local @!p0 [hbm:s6], $0xF7A  }
0x23: {  	s9 =	sor.u32 $0xD0000000, s2;
	s6 =	simm.s32 $0x108;
	_ =	swait.ge @!p0 [sflag:s8], $0x0  }
0x24: {  	s3 =	sadd.s32 $0x88, s3;
	s6 =	simm.s32 @!p1 $0x1082;
	[sflag:s4] =	ssyncset.s32 $0xFFFFF086  }
0x25: {  	[simem:s6], [sflag:s4] =	dma.local [hbm:s3], $0xF7A  }
0x26: {  	[smem:$0x3F93] =	sst s1;
	(tag) =	ssettag s2;
	_ =	strace s9  }
0x27: {  	s1 =	sld [smem:$0x3FA3]  }
0x28: {  	s2 =	sld [smem:$0x3FA4]  }
0x29: {  	s4 =	sld [smem:$0x3FA6]  }
0x2a: {  	p0 =	seq.s32 s5, $0x0;
	s5 =	sld [smem:$0x3FA7]  }
0x2b: {  	s6 =	sld [smem:$0x3FA8]  }
0x2c: {  	s7 =	sld [smem:$0x3FA9]  }
0x2d: {  	s3 =	simm.s32 $0x108;
	s8 =	sld [smem:$0x3FAA]  }
0x2e: {  	s3 =	simm.s32 @!p0 $0x1082;
	s9 =	sld [smem:$0x3FAB]  }
0x2f: {  	lr =	sadd.s32 s0, s3;
	s0 =	sld [smem:$0x3FA2]  }
0x30: {  	s3 =	sld [smem:$0x3FA5]  }
0x31: {  	[smem:$0x3FAE] =	sst s10  }
0x32: {  	s10 =	sld [smem:$0x3FAC];
	_ =	sdelay $0x3  }
0x33: {  	p0 =	seq.s32 s10, $0x1;
	s10 =	sld [smem:$0x3FAE];
	_ =	sdelay $0x3  }
0x34: {  	[smem:$0x3FAE] =	sst s10  }
0x35: {  	s10 =	sld [smem:$0x3FAD];
	_ =	sdelay $0x3  }
0x36: {  	p1 =	seq.s32 s10, $0x1;
	s10 =	sld [smem:$0x3FAE];
	_ =	sdelay $0x3  }
0x37: {  	[smem:$0x3FAE] =	sst s10  }
0x38: {  	s10 =	sld [smem:$0x3FAF]  }
0x39: {  	_ = 	snop;
	(pc) =	sbr.ind lr, $3  }
0x3a: {  	_ = 	snop  }
0x3b: {  	_ = 	snop  }
0x3c: {  	p2 =	seq.s32 s10, $0x1;
	s10 =	sld [smem:$0x3FAE]  }
0x3d: {  	_ =	shalt  }
0x3e: {  	_ =	shalt  }
0x3f: {  	_ =	shalt  }
0x40: {  	_ =	shalt  }
0x41: {  	_ =	shalt  }
0x42: {  	_ =	shalt  }
0x43: {  	_ =	shalt  }
0x44: {  	_ =	shalt  }
0x45: {  	_ =	shalt  }
0x46: {  	_ =	shalt  }
0x47: {  	_ =	shalt  }
0x48: {  	_ =	shalt  }
0x49: {  	_ =	shalt  }
0x4a: {  	_ =	shalt  }
0x4b: {  	_ =	shalt  }
0x4c: {  	_ =	shalt  }
0x4d: {  	_ =	shalt  }
0x4e: {  	_ =	shalt  }
0x4f: {  	_ =	shalt  }
0x50: {  	_ =	shalt  }
0x51: {  	_ =	shalt  }
0x52: {  	_ =	shalt  }
0x53: {  	_ =	shalt  }
0x54: {  	_ =	shalt  }
0x55: {  	_ =	shalt  }
0x56: {  	_ =	shalt  }
0x57: {  	_ =	shalt  }
0x58: {  	_ =	shalt  }
0x59: {  	_ =	shalt  }
0x5a: {  	_ =	shalt  }
0x5b: {  	_ =	shalt  }
0x5c: {  	_ =	shalt  }
0x5d: {  	_ =	shalt  }
0x5e: {  	_ =	shalt  }
0x5f: {  	_ =	shalt  }
0x60: {  	_ =	shalt  }
0x61: {  	_ =	shalt  }
0x62: {  	_ =	shalt  }
0x63: {  	_ =	shalt  }
0x64: {  	_ =	shalt  }
0x65: {  	_ =	shalt  }
0x66: {  	_ =	shalt  }
0x67: {  	_ =	shalt  }
0x68: {  	_ =	shalt  }
0x69: {  	_ =	shalt  }
0x6a: {  	_ =	shalt  }
0x6b: {  	_ =	shalt  }
0x6c: {  	_ =	shalt  }
0x6d: {  	_ =	shalt  }
0x6e: {  	_ =	shalt  }
0x6f: {  	_ =	shalt  }
0x70: {  	_ =	shalt  }
0x71: {  	_ =	shalt  }
0x72: {  	_ =	shalt  }
0x73: {  	_ =	shalt  }
0x74: {  	_ =	shalt  }
0x75: {  	_ =	shalt  }
0x76: {  	_ =	shalt  }
0x77: {  	_ =	shalt  }
0x78: {  	_ =	shalt  }
0x79: {  	_ =	shalt  }
0x7a: {  	_ =	shalt  }
0x7b: {  	_ =	shalt  }
0x7c: {  	_ =	shalt  }
0x7d: {  	_ =	shalt  }
0x7e: {  	_ =	shalt  }
0x7f: {  	_ =	shalt  }
0x80: {  	_ =	shalt  }
0x81: {  	_ =	shalt  }
0x82: {  	_ =	shalt  }
0x83: {  	_ =	shalt  }
0x84: {  	_ =	shalt  }
0x85: {  	_ =	shalt  }
0x86: {  	_ =	shalt  }
0x87: {  	_ =	shalt  }
.Lfunc_end0:
.L_simem_size_0:
called_computation.1_lowered:
.L_overlay_start_0:
0x88: {  	s2 =	sld [smem:$0x3FD9]  }
0x89: {  	s3 =	sld [smem:$0x3FFE];
	_ =	sdelay $0x1  }
0x8a: {  	s1 =	srdreg.scid  }
0x8b: {  	s0 =	sand.u32 $0x1, s1  }
0x8c: {  	s17 =	sshll.u32 s0, $0xA;
	s2 =	sadd.s32 s3, s2  }
0x8d: {  	s2 =	sadd.s32 s2, s17  }
0x8e: {  	[smem:$0x3FBA] =	sst s2  }
0x8f: {  	_ = 	snop  }
0x90: {  	(tm) =	ssettm $0x1  }
0x91: {  	s18 =	sld [smem:$0x3FFB];
	_ =	sdelay $0x3  }
0x92: {  	_ =	strace s18  }
0x93: {  	s2 =	sld [smem:$0x3FFC];
	_ =	sdelay $0x3  }
0x94: {  	_ =	strace s2  }
0x95: {  	s2 =	sld [smem:$0x3FFD];
	_ =	sdelay $0x3  }
0x96: {  	_ =	strace s2  }
0x97: {  	_ =	strace $0x8FFFFFFF  }
0x98: {  	s19 =	sld [smem:$0x3FDB];
	_ =	sdelay $0x1  }
0x99: {  	s20 =	simm.s32 $_scs_section_size  }
0x9a: {  	s4 =	simm.s32 $_size__tile_overlayer_lowered;
	s5 =	simm.s32 $_tile_overlayer_lowered  }
0x9b: {  	s6 =	simm.s32 $0x1BFF;
	s21 =	sshll.u32 s5, $0x1;
	s3 =	sadd.s32 s20, s19  }
0x9c: {  	s22 =	simm.s32 $0x0;
	s4 =	sshll.u32 s4, $0x1;
	s5 =	sadd.s32 s21, s3  }
0x9d: {  	[timem:s22], [sflag:s6] =	dma.local [hbm:s5], s4  }
0x9e: {  	_ =	swait.ge [sflag:s6], s4  }
0x9f: {  	s4 =	ssub.s32 $0x0, s4;
	[sflag:s6] =	ssyncset.done $0x0  }
0xa0: {  	[sflag:s6] =	ssyncadd.s32 s4;
	_ =	sdelay $0x1  }
0xa1: {  	s23 =	simm.s32 $0x1B8B  }
0xa2: {  	_ =	swait.ge [sflag:s23], $0x1  }
0xa3: {  	[sflag:s23] =	ssyncset.done $0x0  }
0xa4: {  	[sflag:s23] =	ssyncadd.s32 $0xFFFFFFFF  }
0xa5: {  	s4 =	sld [smem:$0x0]  }
0xa6: {  	s5 =	sand.u32 $0xFFFFFFFE, s1  }
0xa7: {  	p0 =	sne.s32 s1, s5  }
0xa8: {  	s5 =	sshll.u32 @p0 s5, $0xE  }
0xa9: {  	s5 =	sadd.s32 @p0 $0x11B8D, s5;
	s6 =	sshll.u32 @p0 s4, $0x11  }
0xaa: {  	s5 =	sor.u32 @p0 s6, s5  }
0xab: {  	[sflag:s5] =	ssyncadd.remote.s32 @p0 $0x1;
	_ =	sdelay $0x1  }
0xac: {  	s5 =	simm.s32 @p0 $0x1B8D  }
0xad: {  	_ =	swait.eq @p0 [sflag:s5], $0x1  }
0xae: {  	[sflag:s5] =	ssyncadd.s32 @p0 $0xFFFFFFFF  }
0xaf: {  	s6 =	sshll.u32 @!p0 s1, $0xE  }
0xb0: {  	s6 =	sor.u32 @!p0 $0x4000, s6;
	s5 =	simm.s32 @!p0 $0x1B8D  }
0xb1: {  	s4 =	sshll.u32 @!p0 s4, $0x11;
	s6 =	sadd.s32 @!p0 $0x11B8D, s6;
	_ =	swait.eq @!p0 [sflag:s5], $0x1  }
0xb2: {  	s4 =	sor.u32 @!p0 s4, s6;
	[sflag:s5] =	ssyncadd.s32 @!p0 $0xFFFFFFFF  }
0xb3: {  	s25 =	simm.s32 $0x1B8E;
	s24 =	sld [smem:$0x3FFE];
	[sflag:s4] =	ssyncadd.remote.s32 @!p0 $0x1  }
0xb4: {  	s26 =	simm.s32 $execute0_lowered;
	[smem:$0x3FD2] =	sst s25  }
0xb5: {  	s5 =	sshll.u32 s26, $0x1;
	_ =	strace $0x80000049;
	[dreg:$0x1] =	wrdreg $0xFFFFFFFF  }
0xb6: {  	s28 =	simm.s32 $_size_execute0_lowered;
	s3 =	sadd.s32 s3, s5;
	[dreg:$0x0] =	wrdreg $0x0  }
0xb7: {  	s5 =	sshll.u32 s28, $0x1;
	[dreg:$0x2] =	wrdreg s3  }
0xb8: {  	[dreg:$0x3] =	wrdreg s5  }
0xb9: {  	[dreg:$0x4] =	wrdreg $0xC0  }
0xba: {  	_ =	task [dreg:s22], $0x5FFFF  }
0xbb: {  	[dreg:$0x1] =	wrdreg $0xFFFFFFFF  }
0xbc: {  	[dreg:$0x0] =	wrdreg $0x60  }
0xbd: {  	[dreg:$0x2] =	wrdreg s24  }
0xbe: {  	[dreg:$0x3] =	wrdreg $0x3D000  }
0xbf: {  	[dreg:$0x4] =	wrdreg $0x9  }
0xc0: {  	_ =	task.clear_ibuf [dreg:s22], $0x5FFFF;
	_ =	strace $0x90000049  }
0xc1: {  	s29 =	simm.s32 $0x9;
	_ =	strace $0x8000004B  }
0xc2: {  	_ =	swait.ge [sflag:s29], $0x1  }
0xc3: {  	[sflag:s29] =	ssyncadd.s32 $0xFFFFFFFF  }
0xc4: {  	_ =	strace $0x9000004B  }
0xc5: {  	_ =	sfence  }
0xc6: {  	s30 =	sld [smem:$0x0];
	_ =	sdelay $0x2  }
0xc7: {  	s31 =	sshll.u32 s1, $0xD;
	s1 =	sshrl.u32 s1, $0x2  }
0xc8: {  	s4 =	sand.u32 $0x4000, s31;
	s1 =	sadd.s32 s1, s30  }
0xc9: {  	s0 =	sor.u32 s4, s0;
	s1 =	sshll.u32 s1, $0x11  }
0xca: {  	s0 =	sor.u32 s1, s0  }
0xcb: {  	s0 =	sadd.s32 $0x8F2B, s0  }
0xcc: {  	[sflag:s0] =	ssyncadd.remote.s32 $0x1  }
0xcd: {  	_ =	sfence.sel $0xFFFF  }
0xce: {  	[dreg:$0x0] =	wrdreg $0xFFFFFFFF;
	(pc) =	sbr.abs _section_cstart, $3  }
0xcf: {  	[dreg:$0x1] =	wrdreg $0xFFFFFFFF  }
0xd0: {  	_ =	task.clear_ibuf [dreg:s22], $0x2FFFF;
	_ =	strace $0x9FFFFFFF  }
0xd1: {  	(tm) =	ssettm $0x7FFFFFFF  }
tec
execute0_lowered:
.L_overlay_start_1:
0x0: {  	(tag) =	ssettag $0x1  }
0x1: {  	s0 =	rddreg [dreg:$0x0]  }
0x2: {  	s2 =	rddreg [dreg:$0x1];
	s1 =	stileid.u32;
	s3 =	simm.s32 $0x0  }
0x3: {  	s5 =	srdreg.scid;
	s11 =	simm.s32 $0x2880;
	s12 =	simm.s32 $0x1  }
0x4: {  	s13 =	simm.s32 $0x3500;
	s14 =	simm.s32 $0x3580;
	s15 =	simm.s32 $0x3600  }
0x5: {  	s16 =	simm.s32 $0x3680;
	s17 =	simm.s32 $0x3700;
	s18 =	simm.s32 $0x3780  }
0x6: {  	s19 =	simm.s32 $0x3800;
	s20 =	simm.s32 $0x3880;
	s21 =	simm.s32 $0x3900  }
0x7: {  	s22 =	simm.s32 $0x3980;
	s24 =	simm.s32 $0x3A80;
	s4 =	smul.u32 $0x9C4, s1  }
0x8: {  	s25 =	simm.s32 $0x2;
	s5 =	sand.u32 $0x1, s5;
	s31 =	smul.u32 $0x1380, s1  }
0x9: {  	s28 =	simm.s32 $0x80;
	s29 =	simm.s32 $0x0;
	s26 =	smul.u32 $0x9C400, s5  }
0xa: {  	[smem:$0x7FF] =	sst s3;
	p0 =	sne.s32 s1, $0xF;
	s23 =	smul.u32 $0x1388, s5  }
0xb: {  	_ =	strace $0x8000004A;
	s6 =	ssub.s32 $0x2, s5;
	s9 =	smul.u32 $0x13880, s5  }
0xc: {  	s7 =	sadd.s32 s4, s0;
	s0 =	sadd.s32 $0x9D1E00, s0;
	s8 =	sshrl.u32 s6, $0x1  }
0xd: {  	s4 =	sshrl.u32 s26, $0x3;
	s6 =	ssub.s32 s6, s8;
	s7 =	sadd.s32 $0x9C8000, s7  }
0xe: {  	v0 =	vmov s23;
	s23 =	simm.s32 $0x3A00;
	s26 =	simm.s32 $0x50;
	s30 =	sadd.s32 s0, s4  }
0xf: {  	v1 =	vlaneseq.u32;
	s4 =	smul.u32 $0x138, s1;
	s0 =	sadd.s32 s9, s0;
	s6 =	smax.u32 s6, $0x1  }
0x10: {  	v2 =	vimm.f32 $0.0e+00;
	v4 =	vimm.f32 $1.000000000e+00;
	v3 =	vadd.s32 $0x8, v1;
	s9 =	simm.s32 $0x18;
	s5 =	sadd.s32 $0x13780, s30;
	s8 =	sadd.s32 s31, s0  }
.LBB2_1:
0x11: {  	s30 =	simm.s32 $0x70;
	s31 =	simm.s32 $0x3C0  }
.LBB2_2:
0x12: {  	p1 =	sne.s32 s31, $0x2FC0;
	[tilespmem:s30+$0x2880] =	vst v2  }
0x13: {  	[tilespmem:s30+$0x2810] =	vst v2  }
0x14: {  	[tilespmem:s30+$0x2820] =	vst v2  }
.Ltmp0:
0x15: {  	[tilespmem:s30+$0x2830] =	vst v2;
	(pc) =	sbr.rel @p1 .LBB2_2-.Ltmp0, $4  }
0x16: {  	[tilespmem:s30+$0x2840] =	vst v2  }
0x17: {  	[tilespmem:s30+$0x2850] =	vst v2  }
0x18: {  	[tilespmem:s30+$0x2860] =	vst v2  }
0x19: {  	[tilespmem:s30+$0x2870] =	vst v2;
	s30 =	sshra.s32 s31, $0x2;
	s31 =	sadd.s32 $0x200, s31  }
0x1a: {  	[tilespmem:s30+$0x2880] =	vst v2  }
0x1b: {  	[tilespmem:s30+$0x2810] =	vst v2  }
0x1c: {  	[tilespmem:s30+$0x2820] =	vst v2  }
0x1d: {  	[tilespmem:s30+$0x2830] =	vst v2  }
0x1e: {  	[tilespmem:s30+$0x2840] =	vst v2  }
0x1f: {  	[tilespmem:s30+$0x2850] =	vst v2  }
0x20: {  	[tilespmem:s30+$0x2860] =	vst v2  }
0x21: {  	[tilespmem:s30+$0x2870] =	vst v2;
	v5 =	vadd.s32 s4, v1;
	s0 =	simm.s32 $0x0  }
0x22: {  	s30 =	simm.s32 $0x200;
	s31 =	smov.u32 s4;
	[tilespmem:s0+$0x3480] =	vst v5;
	v5 =	vadd.s32 s4, v3  }
.LBB2_4:
0x23: {  	p1 =	sne.s32 s30, $0x1800  }
0x24: {  	[tilespmem:s0+$0x3488] =	vst v5;
	s31 =	sadd.s32 $0x18, s31;
	s0 =	smov.u32 s30;
	s30 =	sadd.s32 $0x200, s30  }
.Ltmp1:
0x25: {  	(pc) =	sbr.rel @p1 .LBB2_4-.Ltmp1, $3  }
0x26: {  	_ =	sdelay $0x1  }
0x27: {  	v5 =	vadd.s32 s31, v1;
	s0 =	sshra.s32 s0, $0x2  }
0x28: {  	[tilespmem:s0+$0x3480] =	vst v5;
	v5 =	vadd.s32 s31, v3  }
0x29: {  	[tilespmem:s0+$0x3488] =	vst v5;
	s10 =	simm.s32 $0x3480  }
0x2a: {  	[spmem:s2] =	stream.indirect.scatter [tilespmem:s11], [sflag:$0x1], $0x80, s10, s9, $0xb8;
	[tilespmem:$0xD980] =	vst v63  }
0x2b: {  	_ =	swait.ge [sflag:s12], $0xC00  }
0x2c: {  	[sflag:s12] =	ssyncset.done $0x0  }
0x2d: {  	[sflag:s12] =	ssyncadd.s32 $0xFFFFF400  }
0x2e: {  	[spmem:s2] =	stream.indirect.scatter [tilespmem:s11], [sflag:$0x1], $0x80, s13, s9, $0xb8;
	[tilespmem:$0xD980] =	vst v63  }
0x2f: {  	_ =	swait.ge [sflag:s12], $0xC00  }
0x30: {  	[sflag:s12] =	ssyncset.done $0x0  }
0x31: {  	[sflag:s12] =	ssyncadd.s32 $0xFFFFF400  }
0x32: {  	[spmem:s2] =	stream.indirect.scatter [tilespmem:s11], [sflag:$0x1], $0x80, s14, s9, $0xb8;
	[tilespmem:$0xD980] =	vst v63  }
0x33: {  	_ =	swait.ge [sflag:s12], $0xC00  }
0x34: {  	[sflag:s12] =	ssyncset.done $0x0  }
0x35: {  	[sflag:s12] =	ssyncadd.s32 $0xFFFFF400  }
0x36: {  	[spmem:s2] =	stream.indirect.scatter [tilespmem:s11], [sflag:$0x1], $0x80, s15, s9, $0xb8;
	[tilespmem:$0xD980] =	vst v63  }
0x37: {  	_ =	swait.ge [sflag:s12], $0xC00  }
0x38: {  	[sflag:s12] =	ssyncset.done $0x0  }
0x39: {  	[sflag:s12] =	ssyncadd.s32 $0xFFFFF400  }
0x3a: {  	[spmem:s2] =	stream.indirect.scatter [tilespmem:s11], [sflag:$0x1], $0x80, s16, s9, $0xb8;
	[tilespmem:$0xD980] =	vst v63  }
0x3b: {  	_ =	swait.ge [sflag:s12], $0xC00  }
0x3c: {  	[sflag:s12] =	ssyncset.done $0x0  }
0x3d: {  	[sflag:s12] =	ssyncadd.s32 $0xFFFFF400  }
0x3e: {  	[spmem:s2] =	stream.indirect.scatter [tilespmem:s11], [sflag:$0x1], $0x80, s17, s9, $0xb8;
	[tilespmem:$0xD980] =	vst v63  }
0x3f: {  	_ =	swait.ge [sflag:s12], $0xC00  }
0x40: {  	[sflag:s12] =	ssyncset.done $0x0  }
0x41: {  	[sflag:s12] =	ssyncadd.s32 $0xFFFFF400  }
0x42: {  	[spmem:s2] =	stream.indirect.scatter [tilespmem:s11], [sflag:$0x1], $0x80, s18, s9, $0xb8;
	[tilespmem:$0xD980] =	vst v63  }
0x43: {  	_ =	swait.ge [sflag:s12], $0xC00  }
0x44: {  	[sflag:s12] =	ssyncset.done $0x0  }
0x45: {  	[sflag:s12] =	ssyncadd.s32 $0xFFFFF400  }
0x46: {  	[spmem:s2] =	stream.indirect.scatter [tilespmem:s11], [sflag:$0x1], $0x80, s19, s9, $0xb8;
	[tilespmem:$0xD980] =	vst v63  }
0x47: {  	_ =	swait.ge [sflag:s12], $0xC00  }
0x48: {  	[sflag:s12] =	ssyncset.done $0x0  }
0x49: {  	[sflag:s12] =	ssyncadd.s32 $0xFFFFF400  }
0x4a: {  	[spmem:s2] =	stream.indirect.scatter [tilespmem:s11], [sflag:$0x1], $0x80, s20, s9, $0xb8;
	[tilespmem:$0xD980] =	vst v63  }
0x4b: {  	_ =	swait.ge [sflag:s12], $0xC00  }
0x4c: {  	[sflag:s12] =	ssyncset.done $0x0  }
0x4d: {  	[sflag:s12] =	ssyncadd.s32 $0xFFFFF400  }
0x4e: {  	[spmem:s2] =	stream.indirect.scatter [tilespmem:s11], [sflag:$0x1], $0x80, s21, s9, $0xb8;
	[tilespmem:$0xD980] =	vst v63  }
0x4f: {  	_ =	swait.ge [sflag:s12], $0xC00  }
0x50: {  	[sflag:s12] =	ssyncset.done $0x0  }
0x51: {  	[sflag:s12] =	ssyncadd.s32 $0xFFFFF400  }
0x52: {  	[spmem:s2] =	stream.indirect.scatter [tilespmem:s11], [sflag:$0x1], $0x80, s22, s9, $0xb8;
	[tilespmem:$0xD980] =	vst v63  }
0x53: {  	_ =	swait.ge [sflag:s12], $0xC00  }
0x54: {  	[sflag:s12] =	ssyncset.done $0x0  }
0x55: {  	[sflag:s12] =	ssyncadd.s32 $0xFFFFF400  }
0x56: {  	[spmem:s2] =	stream.indirect.scatter [tilespmem:s11], [sflag:$0x1], $0x80, s23, s9, $0xb8;
	[tilespmem:$0xD980] =	vst v63  }
0x57: {  	_ =	swait.ge [sflag:s12], $0xC00  }
0x58: {  	[sflag:s12] =	ssyncset.done $0x0  }
0x59: {  	[sflag:s12] =	ssyncadd.s32 $0xFFFFF400  }
0x5a: {  	[spmem:s2] =	stream.indirect.scatter [tilespmem:s11], [sflag:$0x1], $0x80, s24, s9, $0xb8;
	[tilespmem:$0xD980] =	vst v63  }
0x5b: {  	_ =	swait.ge [sflag:s12], $0xC00  }
0x5c: {  	v5 =	vlaneseq.u32 @!p0;
	[sflag:s12] =	ssyncset.done $0x0  }
0x5d: {  	v5 =	vor.u32 @!p0 $0x1380, v5;
	[sflag:s12] =	ssyncadd.s32 $0xFFFFF400  }
0x5e: {  	s0 =	simm.s32 @!p0 $0x10;
	s30 =	simm.s32 @!p0 $0x3C80;
	s31 =	simm.s32 @!p0 $0x2880;
	[tilespmem:$0x3C80] =	vst @!p0 v5  }
0x5f: {  	[spmem:s2] =	stream.indirect.scatter @!p0 [tilespmem:s31], [sflag:$0x1], $0x80, s30, s0, $0xb8;
	[tilespmem:$0xD980] =	vst v63  }
0x60: {  	s0 =	simm.s32 @!p0 $0x1  }
0x61: {  	_ =	swait.ge @!p0 [sflag:s0], $0x800  }
0x62: {  	[sflag:s0] =	ssyncset.done @!p0 $0x0  }
0x63: {  	s30 =	simm.s32 $0x70;
	s31 =	simm.s32 $0x3C0;
	[sflag:s0] =	ssyncadd.s32 @!p0 $0xFFFFF800  }
.LBB2_6:
0x64: {  	p1 =	sne.s32 s31, $0x9FC0;
	[tilespmem:s30+$0x80] =	vst v4  }
0x65: {  	[tilespmem:s30+$0x10] =	vst v4  }
0x66: {  	[tilespmem:s30+$0x20] =	vst v4  }
.Ltmp2:
0x67: {  	[tilespmem:s30+$0x30] =	vst v4;
	(pc) =	sbr.rel @p1 .LBB2_6-.Ltmp2, $4  }
0x68: {  	[tilespmem:s30+$0x40] =	vst v4  }
0x69: {  	[tilespmem:s30+$0x50] =	vst v4  }
0x6a: {  	[tilespmem:s30+$0x60] =	vst v4  }
0x6b: {  	[tilespmem:s30+$0x70] =	vst v4;
	s30 =	sshra.s32 s31, $0x2;
	s31 =	sadd.s32 $0x200, s31  }
0x6c: {  	[tilespmem:s30+$0x80] =	vst v4  }
0x6d: {  	[tilespmem:s30+$0x10] =	vst v4  }
0x6e: {  	[tilespmem:s30+$0x20] =	vst v4  }
0x6f: {  	[tilespmem:s30+$0x30] =	vst v4  }
0x70: {  	[tilespmem:s30+$0x40] =	vst v4  }
0x71: {  	[tilespmem:s30+$0x50] =	vst v4  }
0x72: {  	[tilespmem:s30+$0x60] =	vst v4  }
0x73: {  	[tilespmem:s30+$0x70] =	vst v4  }
0x74: {  	s0 =	sadd.s32 $0x0, s7;
	[bflag:$0x0] =	sbarrier.arrive $0xFFFF  }
0x75: {  	[tilespmem:s3], [sflag:$0x2] =	stream.linear.gather [hbm4b:s0+s3], $0x50, $0x38;
	[tilespmem:$0xD980] =	vst v63  }
0x76: {  	_ =	swait.ge [sflag:s25], $0x50  }
0x77: {  	[sflag:s25] =	ssyncset.done $0x0  }
0x78: {  	[sflag:s25] =	ssyncadd.s32 $0xFFFFFFB0  }
0x79: {  	v5 =	vld [tilespmem:$0x40]  }
0x7a: {  	v6 =	vld [tilespmem:$0x30]  }
0x7b: {  	v7 =	vld [tilespmem:$0x20]  }
0x7c: {  	v8 =	vld [tilespmem:$0x10]  }
0x7d: {  	v9 =	vld [tilespmem:$0x0]  }
0x7e: {  	v5 =	vsub.s32 v5, v0  }
0x7f: {  	v6 =	vsub.s32 v6, v0;
	v5 =	vmin.u32 v5, $0x1388  }
0x80: {  	v7 =	vsub.s32 v7, v0;
	v6 =	vmin.u32 v6, $0x1388;
	[tilespmem:$0x40] =	vst v5  }
0x81: {  	v7 =	vmin.u32 v7, $0x1388;
	v5 =	vsub.s32 v8, v0;
	[tilespmem:$0x30] =	vst v6  }
0x82: {  	v6 =	vsub.s32 v9, v0;
	[tilespmem:$0x20] =	vst v7;
	v8 =	vmin.u32 v5, $0x1388  }
0x83: {  	s30 =	simm.s32 $0xA;
	v5 =	vmin.u32 v6, $0x1388;
	[tilespmem:$0x10] =	vst v8  }
.LBB2_8:
0x84: {  	p1 =	sne.s32 s30, $0x9BA;
	[tilespmem:$0x0] =	vst v5;
	s0 =	smov.u32 s30;
	s30 =	sadd.s32 $0xA, s30  }
0x85: {  	[spmem:s2] =	stream.indirect.scatter.add.f32 [tilespmem:s28], [sflag:$0x1], $0x80, s3, s26, $0xb8;
	[tilespmem:$0xD980] =	vst v63  }
0x86: {  	_ =	swait.ge [sflag:s12], $0x2800  }
0x87: {  	[sflag:s12] =	ssyncset.done $0x0  }
0x88: {  	s0 =	sadd.s32 s0, s7;
	[sflag:s12] =	ssyncadd.s32 $0xFFFFD800  }
0x89: {  	[tilespmem:s3], [sflag:$0x2] =	stream.linear.gather [hbm4b:s0+s3], $0x50, $0x38;
	[tilespmem:$0xD980] =	vst v63  }
0x8a: {  	_ =	swait.ge [sflag:s25], $0x50  }
0x8b: {  	[sflag:s25] =	ssyncset.done $0x0  }
0x8c: {  	[sflag:s25] =	ssyncadd.s32 $0xFFFFFFB0  }
0x8d: {  	v5 =	vld [tilespmem:$0x40]  }
0x8e: {  	v6 =	vld [tilespmem:$0x30]  }
0x8f: {  	v7 =	vld [tilespmem:$0x20]  }
0x90: {  	v8 =	vld [tilespmem:$0x10]  }
0x91: {  	v9 =	vld [tilespmem:$0x0]  }
0x92: {  	v5 =	vsub.s32 v5, v0  }
.Ltmp3:
0x93: {  	v6 =	vsub.s32 v6, v0;
	v5 =	vmin.u32 v5, $0x1388;
	(pc) =	sbr.rel @p1 .LBB2_8-.Ltmp3, $4  }
0x94: {  	v7 =	vsub.s32 v7, v0;
	v6 =	vmin.u32 v6, $0x1388;
	[tilespmem:$0x40] =	vst v5  }
0x95: {  	v5 =	vsub.s32 v8, v0;
	v7 =	vmin.u32 v7, $0x1388;
	[tilespmem:$0x30] =	vst v6  }
0x96: {  	v6 =	vsub.s32 v9, v0;
	v8 =	vmin.u32 v5, $0x1388;
	[tilespmem:$0x20] =	vst v7  }
0x97: {  	v5 =	vmin.u32 v6, $0x1388;
	[tilespmem:$0x10] =	vst v8  }
0x98: {  	[tilespmem:$0x0] =	vst v5  }
0x99: {  	[spmem:s2] =	stream.indirect.scatter.add.f32 [tilespmem:s28], [sflag:$0x1], $0x80, s3, s26, $0xb8;
	[tilespmem:$0xD980] =	vst v63  }
0x9a: {  	_ =	swait.ge [sflag:s12], $0x2800  }
0x9b: {  	[sflag:s12] =	ssyncset.done $0x0  }
0x9c: {  	[sflag:s12] =	ssyncadd.s32 $0xFFFFD800  }
0x9d: {  	s0 =	simm.s32 $0x3480;
	[bflag:$0x0] =	sbarrier.arrive $0xFFFF  }
0x9e: {  	[tilespmem:s11], [sflag:$0x1] =	stream.indirect.gather [spmem:s2], $0x80, s0, s9, $0xb8;
	[tilespmem:$0xD980] =	vst v63  }
0x9f: {  	_ =	swait.ge [sflag:s12], $0xC00  }
0xa0: {  	[sflag:s12] =	ssyncset.done $0x0  }
0xa1: {  	[sflag:s12] =	ssyncadd.s32 $0xFFFFF400  }
0xa2: {  	[hbm4b:s8+s3] =	stream.linear.scatter [tilespmem:s11], [sflag:$0x2], $0xC00, $0x38;
	[tilespmem:$0xD980] =	vst v63  }
0xa3: {  	s31 =	simm.s32 $0x400;
	_ =	swait.ge [sflag:s25], $0xC00  }
0xa4: {  	s30 =	sadd.s32 $0x180, s8;
	s0 =	simm.s32 $0x80;
	[sflag:s25] =	ssyncset.done $0x0  }
.LBB2_10:
0xa5: {  	s0 =	sadd.s32 $0x3480, s0  }
0xa6: {  	[sflag:s25] =	ssyncadd.s32 $0xFFFFF400;
	s1 =	smov.u32 s31;
	s10 =	sadd.s32 $0x200, s31  }
0xa7: {  	[tilespmem:s11], [sflag:$0x1] =	stream.indirect.gather [spmem:s2], $0x80, s0, s9, $0xb8;
	[tilespmem:$0xD980] =	vst v63  }
0xa8: {  	p1 =	sne.s32 s31, $0x1800;
	_ =	swait.ge [sflag:s12], $0xC00  }
.Ltmp4:
0xa9: {  	[sflag:s12] =	ssyncset.done $0x0;
	(pc) =	sbr.rel @p1 .LBB2_10-.Ltmp4, $4  }
0xaa: {  	[sflag:s12] =	ssyncadd.s32 $0xFFFFF400  }
0xab: {  	[hbm4b:s30+s3] =	stream.linear.scatter [tilespmem:s11], [sflag:$0x2], $0xC00, $0x38;
	[tilespmem:$0xD980] =	vst v63  }
0xac: {  	s0 =	sshra.s32 s1, $0x2;
	_ =	swait.ge [sflag:s25], $0xC00  }
0xad: {  	s31 =	smov.u32 s10;
	s30 =	sadd.s32 $0x180, s30;
	[sflag:s25] =	ssyncset.done $0x0  }
0xae: {  	s0 =	sadd.s32 $0x3480, s0;
	[sflag:s25] =	ssyncadd.s32 $0xFFFFF400  }
0xaf: {  	[tilespmem:s11], [sflag:$0x1] =	stream.indirect.gather [spmem:s2], $0x80, s0, s9, $0xb8;
	[tilespmem:$0xD980] =	vst v63  }
0xb0: {  	_ =	swait.ge [sflag:s12], $0xC00  }
0xb1: {  	[sflag:s12] =	ssyncset.done $0x0  }
0xb2: {  	[sflag:s12] =	ssyncadd.s32 $0xFFFFF400  }
0xb3: {  	[hbm4b:s30+s3] =	stream.linear.scatter [tilespmem:s11], [sflag:$0x2], $0xC00, $0x38;
	[tilespmem:$0xD980] =	vst v63  }
0xb4: {  	_ =	swait.ge [sflag:s25], $0xC00  }
0xb5: {  	v5 =	vlaneseq.u32 @!p0;
	[sflag:s25] =	ssyncset.done $0x0  }
0xb6: {  	v5 =	vadd.s32 @!p0 $0x1378, v5;
	[sflag:s25] =	ssyncadd.s32 $0xFFFFF400  }
0xb7: {  	s1 =	simm.s32 @!p0 $0x3C80;
	s10 =	simm.s32 @!p0 $0x2880;
	s0 =	simm.s32 @!p0 $0x10;
	[tilespmem:$0x3C80] =	vst @!p0 v5  }
0xb8: {  	[tilespmem:s10], [sflag:$0x1] =	stream.indirect.gather @!p0 [spmem:s2], $0x80, s1, s0, $0xb8;
	[tilespmem:$0xD980] =	vst v63  }
0xb9: {  	s0 =	simm.s32 @!p0 $0x1  }
0xba: {  	_ =	swait.ge @!p0 [sflag:s0], $0x800  }
0xbb: {  	s29 =	sadd.s32 $0x1, s29;
	[sflag:s0] =	ssyncset.done @!p0 $0x0  }
0xbc: {  	p1 =	sne.s32 s29, s6;
	[sflag:s0] =	ssyncadd.s32 @!p0 $0xFFFFF800;
	s0 =	simm.s32 @!p0 $0x0  }
0xbd: {  	[hbm4b:s5+s0] =	stream.linear.scatter @!p0 [tilespmem:s10], [sflag:$0x2], $0x800, $0x38;
	[tilespmem:$0xD980] =	vst v63  }
.Ltmp5:
0xbe: {  	_ = 	snop;
	(pc) =	sbr.rel @p1 .LBB2_1-.Ltmp5, $4  }
0xbf: {  	s0 =	simm.s32 @!p0 $0x2  }
0xc0: {  	_ =	swait.ge @!p0 [sflag:s0], $0x800  }
0xc1: {  	[sflag:s0] =	ssyncset.done @!p0 $0x0  }
0xc2: {  	[sflag:s0] =	ssyncadd.s32 @!p0 $0xFFFFF800  }
0xc3: {  	_ =	sfence.sel $0x180000  }
0xc4: {  	[bflag:$0x0] =	sbarrier.arrive $0xFFFF  }
0xc5: {  	_ =	strace $0x9000004A  }
0xc6: {  	s0 =	stileid.u32;
	[bflag:$0x2] =	sbarrier.arrive $0xFFFF  }
0xc7: {  	p0 =	sne.s32 s0, $0x0;
	s0 =	rddreg [dreg:$0x2]  }
0xc8: {  	s0 =	sadd.s32 @!p0 $0x100000, s0  }
0xc9: {  	[sflag:s0] =	ssyncadd.tile.s32 @!p0 $0x1;
	_ =	shalt  }
.Lfunc_end2:
_tile_overlayer_lowered:
.L_overlay_start_2:
0xca: {  	(tag) =	ssettag $0x2  }
0xcb: {  	s0 =	rddreg [dreg:$0x0];
	s2 =	stileid.u32  }
0xcc: {  	s1 =	rddreg [dreg:$0x1];
	p0 =	sne.s32 s2, $0x0  }
0xcd: {  	s3 =	rddreg [dreg:$0x2];
	[bflag:$0x3] =	sbarrier.arrive $0xFFFF;
	s2 =	simm.s32 @!p0 $0x1C02  }
0xce: {  	[timem:s3], [sflag:s2] =	dma.local @!p0 [hbm:s0], s1  }
0xcf: {  	s0 =	simm.s32 @!p0 $0x2  }
0xd0: {  	_ =	swait.ge @!p0 [sflag:s0], s1  }
0xd1: {  	s1 =	ssub.s32 @!p0 $0x0, s1;
	[sflag:s0] =	ssyncset.done @!p0 $0x0  }
0xd2: {  	[sflag:s0] =	ssyncadd.s32 @!p0 s1  }
0xd3: {  	[bflag:$0x3] =	sbarrier.arrive $0xFFFF  }
0xd4: {  	_ =	shalt  }

// kernel: kernel.15.cloned.1.call-start
scs
__scs_entry_jumppad:
0x0: {  	(pc) =	sbr.rel $0x88, $3  }
0x1: {  	(tag) =	ssettag $0x0;
	lr =	simm.s32 $0x1  }
0x2: {  	[smem:$0x3F93] =	sst lr;
	_ =	strace $0xD0000000  }
0x3: {  	_ = 	snop  }
0x4: {  	_ = 	snop  }
0x5: {  	_ = 	snop  }
0x6: {  	_ = 	snop  }
0x7: {  	_ = 	snop  }
__scs_overlays_trampoline_lowered:
0x8: {  	[smem:$0x3FA2] =	sst s0  }
0x9: {  	[smem:$0x3FA3] =	sst s1  }
0xa: {  	[smem:$0x3FA4] =	sst s2  }
0xb: {  	[smem:$0x3FA5] =	sst s3  }
0xc: {  	[smem:$0x3FA6] =	sst s4  }
0xd: {  	[smem:$0x3FA7] =	sst s5  }
0xe: {  	[smem:$0x3FA8] =	sst s6  }
0xf: {  	[smem:$0x3FA9] =	sst s7  }
0x10: {  	[smem:$0x3FAA] =	sst s8  }
0x11: {  	[smem:$0x3FAB] =	sst s9;
	s0 =	simm.s32 @!p0 $0x0  }
0x12: {  	s1 =	sld [smem:$0x3F91];
	s0 =	simm.s32 @p0 $0x1  }
0x13: {  	[smem:$0x3FAC] =	sst s0;
	s0 =	simm.s32 @!p1 $0x0  }
0x14: {  	s2 =	sld [smem:$0x3F90];
	s0 =	simm.s32 @p1 $0x1  }
0x15: {  	[smem:$0x3FAD] =	sst s0;
	s0 =	simm.s32 @!p2 $0x0  }
0x16: {  	s3 =	sld [smem:$0x3FDB];
	s0 =	simm.s32 @p2 $0x1  }
0x17: {  	s4 =	simm.s32 $0x1BF5;
	[smem:$0x3FAF] =	sst s0  }
0x18: {  	s0 =	sld [smem:$0x3F92];
	_ =	swait.ge [sflag:s4], $0x0  }
0x19: {  	s7 =	sld [smem:$0x3F93]  }
0x1a: {  	s8 =	sadd.s32 $0xFFFFE003, lr  }
0x1b: {  	s9 =	sadd.s32 $0xFFFFFEF7, lr;
	s5 =	simm.s32 $0xFFFFFFFF;
	p2 =	slt.u32 s8, $0xFFFFF086  }
0x1c: {  	p1 =	slt.u32 s9, $0xF7A;
	s5 =	simm.s32 @!p2 $0x0  }
0x1d: {  	s5 =	simm.s32 @p1 $0x1;
	p0 =	seq.s32 s7, s2  }
0x1e: {  	s7 =	smul.u32 @!p0 $0xF7A, s2;
	p2 =	seq.s32 @!p0 s5, $0x0  }
0x1f: {  	s9 =	smul.u32 $0xF7A, s1;
	s8 =	simm.s32 @!p0 $0x1BF5;
	p2 =	por !p2, p0  }
0x20: {  	[sflag:s8] =	ssyncset.s32 @!p0 $0xFFFFF086;
	s6 =	sadd.s32 @!p0 s3, s7;
	s7 =	simm.s32 @!p0 $0x108  }
0x21: {  	s3 =	sadd.s32 s3, s9;
	s6 =	sadd.s32 @!p0 $0x88, s6;
	s7 =	simm.s32 @p2 $0x1082  }
0x22: {  	[simem:s7], [sflag:s8] =	dma.local @!p0 [hbm:s6], $0xF7A  }
0x23: {  	s9 =	sor.u32 $0xD0000000, s2;
	s6 =	simm.s32 $0x108;
	_ =	swait.ge @!p0 [sflag:s8], $0x0  }
0x24: {  	s3 =	sadd.s32 $0x88, s3;
	s6 =	simm.s32 @!p1 $0x1082;
	[sflag:s4] =	ssyncset.s32 $0xFFFFF086  }
0x25: {  	[simem:s6], [sflag:s4] =	dma.local [hbm:s3], $0xF7A  }
0x26: {  	[smem:$0x3F93] =	sst s1;
	(tag) =	ssettag s2;
	_ =	strace s9  }
0x27: {  	s1 =	sld [smem:$0x3FA3]  }
0x28: {  	s2 =	sld [smem:$0x3FA4]  }
0x29: {  	s4 =	sld [smem:$0x3FA6]  }
0x2a: {  	p0 =	seq.s32 s5, $0x0;
	s5 =	sld [smem:$0x3FA7]  }
0x2b: {  	s6 =	sld [smem:$0x3FA8]  }
0x2c: {  	s7 =	sld [smem:$0x3FA9]  }
0x2d: {  	s3 =	simm.s32 $0x108;
	s8 =	sld [smem:$0x3FAA]  }
0x2e: {  	s3 =	simm.s32 @!p0 $0x1082;
	s9 =	sld [smem:$0x3FAB]  }
0x2f: {  	lr =	sadd.s32 s0, s3;
	s0 =	sld [smem:$0x3FA2]  }
0x30: {  	s3 =	sld [smem:$0x3FA5]  }
0x31: {  	[smem:$0x3FAE] =	sst s10  }
0x32: {  	s10 =	sld [smem:$0x3FAC];
	_ =	sdelay $0x3  }
0x33: {  	p0 =	seq.s32 s10, $0x1;
	s10 =	sld [smem:$0x3FAE];
	_ =	sdelay $0x3  }
0x34: {  	[smem:$0x3FAE] =	sst s10  }
0x35: {  	s10 =	sld [smem:$0x3FAD];
	_ =	sdelay $0x3  }
0x36: {  	p1 =	seq.s32 s10, $0x1;
	s10 =	sld [smem:$0x3FAE];
	_ =	sdelay $0x3  }
0x37: {  	[smem:$0x3FAE] =	sst s10  }
0x38: {  	s10 =	sld [smem:$0x3FAF]  }
0x39: {  	_ = 	snop;
	(pc) =	sbr.ind lr, $3  }
0x3a: {  	_ = 	snop  }
0x3b: {  	_ = 	snop  }
0x3c: {  	p2 =	seq.s32 s10, $0x1;
	s10 =	sld [smem:$0x3FAE]  }
0x3d: {  	_ =	shalt  }
0x3e: {  	_ =	shalt  }
0x3f: {  	_ =	shalt  }
0x40: {  	_ =	shalt  }
0x41: {  	_ =	shalt  }
0x42: {  	_ =	shalt  }
0x43: {  	_ =	shalt  }
0x44: {  	_ =	shalt  }
0x45: {  	_ =	shalt  }
0x46: {  	_ =	shalt  }
0x47: {  	_ =	shalt  }
0x48: {  	_ =	shalt  }
0x49: {  	_ =	shalt  }
0x4a: {  	_ =	shalt  }
0x4b: {  	_ =	shalt  }
0x4c: {  	_ =	shalt  }
0x4d: {  	_ =	shalt  }
0x4e: {  	_ =	shalt  }
0x4f: {  	_ =	shalt  }
0x50: {  	_ =	shalt  }
0x51: {  	_ =	shalt  }
0x52: {  	_ =	shalt  }
0x53: {  	_ =	shalt  }
0x54: {  	_ =	shalt  }
0x55: {  	_ =	shalt  }
0x56: {  	_ =	shalt  }
0x57: {  	_ =	shalt  }
0x58: {  	_ =	shalt  }
0x59: {  	_ =	shalt  }
0x5a: {  	_ =	shalt  }
0x5b: {  	_ =	shalt  }
0x5c: {  	_ =	shalt  }
0x5d: {  	_ =	shalt  }
0x5e: {  	_ =	shalt  }
0x5f: {  	_ =	shalt  }
0x60: {  	_ =	shalt  }
0x61: {  	_ =	shalt  }
0x62: {  	_ =	shalt  }
0x63: {  	_ =	shalt  }
0x64: {  	_ =	shalt  }
0x65: {  	_ =	shalt  }
0x66: {  	_ =	shalt  }
0x67: {  	_ =	shalt  }
0x68: {  	_ =	shalt  }
0x69: {  	_ =	shalt  }
0x6a: {  	_ =	shalt  }
0x6b: {  	_ =	shalt  }
0x6c: {  	_ =	shalt  }
0x6d: {  	_ =	shalt  }
0x6e: {  	_ =	shalt  }
0x6f: {  	_ =	shalt  }
0x70: {  	_ =	shalt  }
0x71: {  	_ =	shalt  }
0x72: {  	_ =	shalt  }
0x73: {  	_ =	shalt  }
0x74: {  	_ =	shalt  }
0x75: {  	_ =	shalt  }
0x76: {  	_ =	shalt  }
0x77: {  	_ =	shalt  }
0x78: {  	_ =	shalt  }
0x79: {  	_ =	shalt  }
0x7a: {  	_ =	shalt  }
0x7b: {  	_ =	shalt  }
0x7c: {  	_ =	shalt  }
0x7d: {  	_ =	shalt  }
0x7e: {  	_ =	shalt  }
0x7f: {  	_ =	shalt  }
0x80: {  	_ =	shalt  }
0x81: {  	_ =	shalt  }
0x82: {  	_ =	shalt  }
0x83: {  	_ =	shalt  }
0x84: {  	_ =	shalt  }
0x85: {  	_ =	shalt  }
0x86: {  	_ =	shalt  }
0x87: {  	_ =	shalt  }
.Lfunc_end0:
.L_simem_size_0:
called_computation.2_lowered:
.L_overlay_start_0:
0x88: {  	s2 =	sld [smem:$0x3FD9]  }
0x89: {  	s3 =	sld [smem:$0x3FFE];
	_ =	sdelay $0x1  }
0x8a: {  	s1 =	srdreg.scid  }
0x8b: {  	s0 =	sand.u32 $0x1, s1  }
0x8c: {  	s17 =	sshll.u32 s0, $0xA;
	s2 =	sadd.s32 s3, s2  }
0x8d: {  	s2 =	sadd.s32 s2, s17  }
0x8e: {  	[smem:$0x3FBA] =	sst s2  }
0x8f: {  	_ = 	snop  }
0x90: {  	s18 =	sld [smem:$0x3FD0];
	(tm) =	ssettm $0x1  }
0x91: {  	s19 =	sld [smem:$0x3FFB];
	_ =	sdelay $0x3  }
0x92: {  	_ =	strace s19  }
0x93: {  	s2 =	sld [smem:$0x3FFC];
	_ =	sdelay $0x3  }
0x94: {  	_ =	strace s2  }
0x95: {  	s2 =	sld [smem:$0x3FFD];
	_ =	sdelay $0x3  }
0x96: {  	_ =	strace s2  }
0x97: {  	_ =	strace $0x8FFFFFFF  }
0x98: {  	s20 =	sld [smem:$0x3FDB];
	_ =	sdelay $0x1  }
0x99: {  	s4 =	simm.s32 $_scs_section_size  }
0x9a: {  	s5 =	simm.s32 $_size__tile_overlayer_lowered;
	s6 =	simm.s32 $_tile_overlayer_lowered  }
0x9b: {  	s7 =	simm.s32 $0x1BFF;
	s21 =	sshll.u32 s6, $0x1;
	s4 =	sadd.s32 s4, s20  }
0x9c: {  	s22 =	simm.s32 $0x0;
	s5 =	sshll.u32 s5, $0x1;
	s6 =	sadd.s32 s21, s4  }
0x9d: {  	[timem:s22], [sflag:s7] =	dma.local [hbm:s6], s5  }
0x9e: {  	_ =	swait.ge [sflag:s7], s5  }
0x9f: {  	s5 =	ssub.s32 $0x0, s5;
	[sflag:s7] =	ssyncset.done $0x0  }
0xa0: {  	[sflag:s7] =	ssyncadd.s32 s5;
	_ =	sdelay $0x1  }
0xa1: {  	s23 =	simm.s32 $0x1B8B  }
0xa2: {  	_ =	swait.ge [sflag:s23], $0x1  }
0xa3: {  	[sflag:s23] =	ssyncset.done $0x0  }
0xa4: {  	[sflag:s23] =	ssyncadd.s32 $0xFFFFFFFF  }
0xa5: {  	s5 =	sld [smem:$0x0]  }
0xa6: {  	s6 =	sand.u32 $0xFFFFFFFE, s1  }
0xa7: {  	p0 =	sne.s32 s1, s6  }
0xa8: {  	s6 =	sshll.u32 @p0 s6, $0xE  }
0xa9: {  	s6 =	sadd.s32 @p0 $0x11B8D, s6;
	s7 =	sshll.u32 @p0 s5, $0x11  }
0xaa: {  	s6 =	sor.u32 @p0 s7, s6  }
0xab: {  	[sflag:s6] =	ssyncadd.remote.s32 @p0 $0x1;
	_ =	sdelay $0x1  }
0xac: {  	s6 =	simm.s32 @p0 $0x1B8D  }
0xad: {  	_ =	swait.eq @p0 [sflag:s6], $0x1  }
0xae: {  	[sflag:s6] =	ssyncadd.s32 @p0 $0xFFFFFFFF  }
0xaf: {  	s7 =	sshll.u32 @!p0 s1, $0xE  }
0xb0: {  	s7 =	sor.u32 @!p0 $0x4000, s7;
	s6 =	simm.s32 @!p0 $0x1B8D  }
0xb1: {  	s5 =	sshll.u32 @!p0 s5, $0x11;
	s7 =	sadd.s32 @!p0 $0x11B8D, s7;
	_ =	swait.eq @!p0 [sflag:s6], $0x1  }
0xb2: {  	s5 =	sor.u32 @!p0 s5, s7;
	[sflag:s6] =	ssyncadd.s32 @!p0 $0xFFFFFFFF  }
0xb3: {  	s25 =	simm.s32 $0x1B8E;
	s24 =	sld [smem:$0x3FFE];
	[sflag:s5] =	ssyncadd.remote.s32 @!p0 $0x1  }
0xb4: {  	s26 =	simm.s32 $execute0_lowered;
	[smem:$0x3FD2] =	sst s25  }
0xb5: {  	s6 =	sshll.u32 s26, $0x1;
	_ =	strace $0x8000004C;
	[dreg:$0x1] =	wrdreg $0xFFFFFFFF  }
0xb6: {  	s28 =	simm.s32 $_size_execute0_lowered;
	s4 =	sadd.s32 s4, s6;
	[dreg:$0x0] =	wrdreg $0x0  }
0xb7: {  	s6 =	sshll.u32 s28, $0x1;
	[dreg:$0x2] =	wrdreg s4  }
0xb8: {  	[dreg:$0x3] =	wrdreg s6  }
0xb9: {  	[dreg:$0x4] =	wrdreg $0xC0  }
0xba: {  	_ =	task [dreg:s22], $0x5FFFF  }
0xbb: {  	[dreg:$0x1] =	wrdreg $0xFFFFFFFF  }
0xbc: {  	[dreg:$0x0] =	wrdreg $0x60  }
0xbd: {  	[dreg:$0x2] =	wrdreg s24  }
0xbe: {  	[dreg:$0x3] =	wrdreg s18  }
0xbf: {  	[dreg:$0x4] =	wrdreg $0x3D000  }
0xc0: {  	[dreg:$0x5] =	wrdreg $0xA  }
0xc1: {  	_ =	task.clear_ibuf [dreg:s22], $0x6FFFF;
	_ =	strace $0x9000004C  }
0xc2: {  	s29 =	simm.s32 $0xA;
	_ =	strace $0x8000004E  }
0xc3: {  	_ =	swait.ge [sflag:s29], $0x1  }
0xc4: {  	[sflag:s29] =	ssyncadd.s32 $0xFFFFFFFF  }
0xc5: {  	_ =	strace $0x9000004E  }
0xc6: {  	_ =	sfence  }
0xc7: {  	s30 =	sld [smem:$0x0];
	_ =	sdelay $0x2  }
0xc8: {  	s31 =	sshll.u32 s1, $0xD;
	s1 =	sshrl.u32 s1, $0x2  }
0xc9: {  	s4 =	sand.u32 $0x4000, s31;
	s1 =	sadd.s32 s1, s30  }
0xca: {  	s0 =	sor.u32 s4, s0;
	s1 =	sshll.u32 s1, $0x11  }
0xcb: {  	s0 =	sor.u32 s1, s0  }
0xcc: {  	s0 =	sadd.s32 $0x8F2B, s0  }
0xcd: {  	[sflag:s0] =	ssyncadd.remote.s32 $0x1  }
0xce: {  	_ =	sfence.sel $0xFFFF  }
0xcf: {  	[dreg:$0x0] =	wrdreg $0xFFFFFFFF;
	(pc) =	sbr.abs _section_cstart, $3  }
0xd0: {  	[dreg:$0x1] =	wrdreg $0xFFFFFFFF  }
0xd1: {  	_ =	task.clear_ibuf [dreg:s22], $0x2FFFF;
	_ =	strace $0x9FFFFFFF  }
0xd2: {  	(tm) =	ssettm $0x7FFFFFFF  }
0xd3: {  	_ =	shalt  }
tec
execute0_lowered:
.L_overlay_start_1:
0x0: {  	(tag) =	ssettag $0x1  }
0x1: {  	s0 =	rddreg [dreg:$0x0]  }
0x2: {  	s1 =	rddreg [dreg:$0x1]  }
0x3: {  	s2 =	rddreg [dreg:$0x2]  }
0x4: {  	s12 =	stileid.u32;
	s5 =	srdreg.scid;
	s3 =	simm.s32 $0x0  }
0x5: {  	s13 =	simm.s32 $0x1;
	s15 =	simm.s32 $0x3580;
	s16 =	simm.s32 $0x3600  }
0x6: {  	s17 =	simm.s32 $0x3680;
	s18 =	simm.s32 $0x3700;
	s19 =	simm.s32 $0x3780  }
0x7: {  	s20 =	simm.s32 $0x3800;
	s21 =	simm.s32 $0x3880;
	s4 =	smul.u32 $0x4E200, s12  }
0x8: {  	s22 =	simm.s32 $0x3900;
	s23 =	simm.s32 $0x3980;
	s6 =	smul.u32 $0x9C4, s12  }
0x9: {  	s28 =	simm.s32 $0x2;
	s5 =	sand.u32 $0x1, s5;
	s31 =	smul.u32 $0x1380, s12  }
0xa: {  	s29 =	simm.s32 $0x50;
	s30 =	simm.s32 $0x0;
	s7 =	smul.u32 $0x1388, s5  }
0xb: {  	[smem:$0x7FF] =	sst s3;
	p0 =	sne.s32 s12, $0xF;
	s9 =	smul.u32 $0x9C400, s5  }
0xc: {  	_ =	strace $0x8000004D;
	s24 =	ssub.s32 $0x2, s5;
	s11 =	smul.u32 $0x13880, s5  }
0xd: {  	s8 =	sadd.s32 s4, s0;
	s10 =	sadd.s32 s6, s0;
	s4 =	smul.u32 $0x138, s12  }
0xe: {  	s25 =	sshrl.u32 s24, $0x1;
	s12 =	simm.s32 $0x2880;
	s9 =	sshrl.u32 s9, $0x3  }
0xf: {  	s0 =	ssub.s32 s24, s25;
	s24 =	simm.s32 $0x3A00;
	s25 =	simm.s32 $0x3A80  }
0x10: {  	s26 =	sadd.s32 s1, s9;
	s6 =	smax.u32 s0, $0x1;
	s1 =	sadd.s32 s11, s1  }
0x11: {  	v0 =	vlaneseq.u32;
	s0 =	sadd.s32 $0x4000, s8;
	s8 =	sadd.s32 $0x9C8000, s10;
	s10 =	simm.s32 $0x18  }
0x12: {  	v2 =	vimm.f32 $0.0e+00;
	v3 =	vadd.s32 $0x8, v0;
	v1 =	vmov s7;
	s5 =	sadd.s32 $0x13780, s26;
	s9 =	sadd.s32 s31, s1;
	s26 =	simm.s32 $0x2800  }
.LBB2_1:
0x13: {  	s7 =	simm.s32 $0x70;
	s31 =	simm.s32 $0x3C0  }
.LBB2_2:
0x14: {  	p1 =	sne.s32 s31, $0x2FC0;
	[tilespmem:s7+$0x2880] =	vst v2  }
0x15: {  	[tilespmem:s7+$0x2810] =	vst v2  }
0x16: {  	[tilespmem:s7+$0x2820] =	vst v2  }
.Ltmp0:
0x17: {  	[tilespmem:s7+$0x2830] =	vst v2;
	(pc) =	sbr.rel @p1 .LBB2_2-.Ltmp0, $4  }
0x18: {  	[tilespmem:s7+$0x2840] =	vst v2  }
0x19: {  	[tilespmem:s7+$0x2850] =	vst v2  }
0x1a: {  	[tilespmem:s7+$0x2860] =	vst v2  }
0x1b: {  	[tilespmem:s7+$0x2870] =	vst v2;
	s7 =	sshra.s32 s31, $0x2;
	s31 =	sadd.s32 $0x200, s31  }
0x1c: {  	[tilespmem:s7+$0x2880] =	vst v2  }
0x1d: {  	[tilespmem:s7+$0x2810] =	vst v2  }
0x1e: {  	[tilespmem:s7+$0x2820] =	vst v2  }
0x1f: {  	[tilespmem:s7+$0x2830] =	vst v2  }
0x20: {  	[tilespmem:s7+$0x2840] =	vst v2  }
0x21: {  	[tilespmem:s7+$0x2850] =	vst v2  }
0x22: {  	[tilespmem:s7+$0x2860] =	vst v2  }
0x23: {  	[tilespmem:s7+$0x2870] =	vst v2;
	v4 =	vadd.s32 s4, v0;
	s1 =	simm.s32 $0x0  }
0x24: {  	s7 =	simm.s32 $0x200;
	s31 =	smov.u32 s4;
	[tilespmem:s1+$0x3480] =	vst v4;
	v4 =	vadd.s32 s4, v3  }
.LBB2_4:
0x25: {  	p1 =	sne.s32 s7, $0x1800  }
0x26: {  	[tilespmem:s1+$0x3488] =	vst v4;
	s31 =	sadd.s32 $0x18, s31;
	s1 =	smov.u32 s7;
	s7 =	sadd.s32 $0x200, s7  }
.Ltmp1:
0x27: {  	(pc) =	sbr.rel @p1 .LBB2_4-.Ltmp1, $3  }
0x28: {  	_ =	sdelay $0x1  }
0x29: {  	v4 =	vadd.s32 s31, v0;
	s1 =	sshra.s32 s1, $0x2  }
0x2a: {  	[tilespmem:s1+$0x3480] =	vst v4;
	v4 =	vadd.s32 s31, v3  }
0x2b: {  	[tilespmem:s1+$0x3488] =	vst v4;
	s7 =	simm.s32 $0x3480  }
0x2c: {  	[spmem:s2] =	stream.indirect.scatter [tilespmem:s12], [sflag:$0x1], $0x80, s7, s10, $0xb8;
	[tilespmem:$0xD980] =	vst v63  }
0x2d: {  	_ =	swait.ge [sflag:s13], $0xC00  }
0x2e: {  	[sflag:s13] =	ssyncset.done $0x0  }
0x2f: {  	s11 =	simm.s32 $0x3500;
	[sflag:s13] =	ssyncadd.s32 $0xFFFFF400  }
0x30: {  	[spmem:s2] =	stream.indirect.scatter [tilespmem:s12], [sflag:$0x1], $0x80, s11, s10, $0xb8;
	[tilespmem:$0xD980] =	vst v63  }
0x31: {  	_ =	swait.ge [sflag:s13], $0xC00  }
0x32: {  	[sflag:s13] =	ssyncset.done $0x0  }
0x33: {  	[sflag:s13] =	ssyncadd.s32 $0xFFFFF400  }
0x34: {  	[spmem:s2] =	stream.indirect.scatter [tilespmem:s12], [sflag:$0x1], $0x80, s15, s10, $0xb8;
	[tilespmem:$0xD980] =	vst v63  }
0x35: {  	_ =	swait.ge [sflag:s13], $0xC00  }
0x36: {  	[sflag:s13] =	ssyncset.done $0x0  }
0x37: {  	[sflag:s13] =	ssyncadd.s32 $0xFFFFF400  }
0x38: {  	[spmem:s2] =	stream.indirect.scatter [tilespmem:s12], [sflag:$0x1], $0x80, s16, s10, $0xb8;
	[tilespmem:$0xD980] =	vst v63  }
0x39: {  	_ =	swait.ge [sflag:s13], $0xC00  }
0x3a: {  	[sflag:s13] =	ssyncset.done $0x0  }
0x3b: {  	[sflag:s13] =	ssyncadd.s32 $0xFFFFF400  }
0x3c: {  	[spmem:s2] =	stream.indirect.scatter [tilespmem:s12], [sflag:$0x1], $0x80, s17, s10, $0xb8;
	[tilespmem:$0xD980] =	vst v63  }
0x3d: {  	_ =	swait.ge [sflag:s13], $0xC00  }
0x3e: {  	[sflag:s13] =	ssyncset.done $0x0  }
0x3f: {  	[sflag:s13] =	ssyncadd.s32 $0xFFFFF400  }
0x40: {  	[spmem:s2] =	stream.indirect.scatter [tilespmem:s12], [sflag:$0x1], $0x80, s18, s10, $0xb8;
	[tilespmem:$0xD980] =	vst v63  }
0x41: {  	_ =	swait.ge [sflag:s13], $0xC00  }
0x42: {  	[sflag:s13] =	ssyncset.done $0x0  }
0x43: {  	[sflag:s13] =	ssyncadd.s32 $0xFFFFF400  }
0x44: {  	[spmem:s2] =	stream.indirect.scatter [tilespmem:s12], [sflag:$0x1], $0x80, s19, s10, $0xb8;
	[tilespmem:$0xD980] =	vst v63  }
0x45: {  	_ =	swait.ge [sflag:s13], $0xC00  }
0x46: {  	[sflag:s13] =	ssyncset.done $0x0  }
0x47: {  	[sflag:s13] =	ssyncadd.s32 $0xFFFFF400  }
0x48: {  	[spmem:s2] =	stream.indirect.scatter [tilespmem:s12], [sflag:$0x1], $0x80, s20, s10, $0xb8;
	[tilespmem:$0xD980] =	vst v63  }
0x49: {  	_ =	swait.ge [sflag:s13], $0xC00  }
0x4a: {  	[sflag:s13] =	ssyncset.done $0x0  }
0x4b: {  	[sflag:s13] =	ssyncadd.s32 $0xFFFFF400  }
0x4c: {  	[spmem:s2] =	stream.indirect.scatter [tilespmem:s12], [sflag:$0x1], $0x80, s21, s10, $0xb8;
	[tilespmem:$0xD980] =	vst v63  }
0x4d: {  	_ =	swait.ge [sflag:s13], $0xC00  }
0x4e: {  	[sflag:s13] =	ssyncset.done $0x0  }
0x4f: {  	[sflag:s13] =	ssyncadd.s32 $0xFFFFF400  }
0x50: {  	[spmem:s2] =	stream.indirect.scatter [tilespmem:s12], [sflag:$0x1], $0x80, s22, s10, $0xb8;
	[tilespmem:$0xD980] =	vst v63  }
0x51: {  	_ =	swait.ge [sflag:s13], $0xC00  }
0x52: {  	[sflag:s13] =	ssyncset.done $0x0  }
0x53: {  	[sflag:s13] =	ssyncadd.s32 $0xFFFFF400  }
0x54: {  	[spmem:s2] =	stream.indirect.scatter [tilespmem:s12], [sflag:$0x1], $0x80, s23, s10, $0xb8;
	[tilespmem:$0xD980] =	vst v63  }
0x55: {  	_ =	swait.ge [sflag:s13], $0xC00  }
0x56: {  	[sflag:s13] =	ssyncset.done $0x0  }
0x57: {  	[sflag:s13] =	ssyncadd.s32 $0xFFFFF400  }
0x58: {  	[spmem:s2] =	stream.indirect.scatter [tilespmem:s12], [sflag:$0x1], $0x80, s24, s10, $0xb8;
	[tilespmem:$0xD980] =	vst v63  }
0x59: {  	_ =	swait.ge [sflag:s13], $0xC00  }
0x5a: {  	[sflag:s13] =	ssyncset.done $0x0  }
0x5b: {  	[sflag:s13] =	ssyncadd.s32 $0xFFFFF400  }
0x5c: {  	[spmem:s2] =	stream.indirect.scatter [tilespmem:s12], [sflag:$0x1], $0x80, s25, s10, $0xb8;
	[tilespmem:$0xD980] =	vst v63  }
0x5d: {  	_ =	swait.ge [sflag:s13], $0xC00  }
0x5e: {  	v4 =	vlaneseq.u32 @!p0;
	[sflag:s13] =	ssyncset.done $0x0  }
0x5f: {  	v4 =	vor.u32 @!p0 $0x1380, v4;
	[sflag:s13] =	ssyncadd.s32 $0xFFFFF400  }
0x60: {  	s1 =	simm.s32 @!p0 $0x10;
	s31 =	simm.s32 @!p0 $0x2880;
	s7 =	simm.s32 @!p0 $0x3C80;
	[tilespmem:$0x3C80] =	vst @!p0 v4  }
0x61: {  	[spmem:s2] =	stream.indirect.scatter @!p0 [tilespmem:s31], [sflag:$0x1], $0x80, s7, s1, $0xb8;
	[tilespmem:$0xD980] =	vst v63  }
0x62: {  	s1 =	simm.s32 @!p0 $0x1  }
0x63: {  	_ =	swait.ge @!p0 [sflag:s1], $0x800  }
0x64: {  	[sflag:s1] =	ssyncset.done @!p0 $0x0  }
0x65: {  	[sflag:s1] =	ssyncadd.s32 @!p0 $0xFFFFF800  }
0x66: {  	s14 =	sadd.s32 $0x0, s8;
	[bflag:$0x0] =	sbarrier.arrive $0xFFFF  }
0x67: {  	[tilespmem:s26], [sflag:$0x2] =	stream.linear.gather [hbm4b:s14+s3], $0x50, $0x38;
	[tilespmem:$0xD980] =	vst v63  }
0x68: {  	_ =	swait.ge [sflag:s28], $0x50  }
0x69: {  	[sflag:s28] =	ssyncset.done $0x0  }
0x6a: {  	[sflag:s28] =	ssyncadd.s32 $0xFFFFFFB0  }
0x6b: {  	[tilespmem:s3], [sflag:$0x2] =	stream.linear.gather [hbm4b:s0+s3], $0x2800, $0x38;
	[tilespmem:$0xD980] =	vst v63  }
0x6c: {  	_ =	swait.ge [sflag:s28], $0x2800  }
0x6d: {  	[sflag:s28] =	ssyncset.done $0x0  }
0x6e: {  	[sflag:s28] =	ssyncadd.s32 $0xFFFFD800  }
0x6f: {  	v4 =	vld [tilespmem:$0x2840]  }
0x70: {  	v5 =	vld [tilespmem:$0x2830]  }
0x71: {  	v6 =	vld [tilespmem:$0x2820]  }
0x72: {  	v7 =	vld [tilespmem:$0x2810]  }
0x73: {  	v8 =	vld [tilespmem:$0x2800]  }
0x74: {  	v4 =	vsub.s32 v4, v1  }
0x75: {  	v5 =	vsub.s32 v5, v1;
	v4 =	vmin.u32 v4, $0x1388  }
0x76: {  	v6 =	vsub.s32 v6, v1;
	v5 =	vmin.u32 v5, $0x1388;
	[tilespmem:$0x2840] =	vst v4  }
0x77: {  	v6 =	vmin.u32 v6, $0x1388;
	v4 =	vsub.s32 v7, v1;
	[tilespmem:$0x2830] =	vst v5  }
0x78: {  	v5 =	vsub.s32 v8, v1;
	[tilespmem:$0x2820] =	vst v6;
	v7 =	vmin.u32 v4, $0x1388  }
0x79: {  	s31 =	simm.s32 $0xA;
	s7 =	smov.u32 s0;
	v4 =	vmin.u32 v5, $0x1388;
	[tilespmem:$0x2810] =	vst v7  }
.LBB2_6:
0x7a: {  	p1 =	sne.s32 s31, $0x9BA  }
0x7b: {  	[tilespmem:$0x2800] =	vst v4;
	s7 =	sadd.s32 $0x500, s7;
	s1 =	smov.u32 s31;
	s31 =	sadd.s32 $0xA, s31  }
0x7c: {  	[spmem:s2] =	stream.indirect.scatter.add.f32 [tilespmem:s3], [sflag:$0x1], $0x80, s26, s29, $0xb8;
	[tilespmem:$0xD980] =	vst v63  }
0x7d: {  	_ =	swait.ge [sflag:s13], $0x2800  }
0x7e: {  	[sflag:s13] =	ssyncset.done $0x0  }
0x7f: {  	s1 =	sadd.s32 s1, s8;
	[sflag:s13] =	ssyncadd.s32 $0xFFFFD800  }
0x80: {  	[tilespmem:s26], [sflag:$0x2] =	stream.linear.gather [hbm4b:s1+s3], $0x50, $0x38;
	[tilespmem:$0xD980] =	vst v63  }
0x81: {  	_ =	swait.ge [sflag:s28], $0x50  }
0x82: {  	[sflag:s28] =	ssyncset.done $0x0  }
0x83: {  	[sflag:s28] =	ssyncadd.s32 $0xFFFFFFB0  }
0x84: {  	[tilespmem:s3], [sflag:$0x2] =	stream.linear.gather [hbm4b:s7+s3], $0x2800, $0x38;
	[tilespmem:$0xD980] =	vst v63  }
0x85: {  	_ =	swait.ge [sflag:s28], $0x2800  }
0x86: {  	[sflag:s28] =	ssyncset.done $0x0  }
0x87: {  	[sflag:s28] =	ssyncadd.s32 $0xFFFFD800  }
0x88: {  	v4 =	vld [tilespmem:$0x2840]  }
0x89: {  	v5 =	vld [tilespmem:$0x2830]  }
0x8a: {  	v6 =	vld [tilespmem:$0x2820]  }
0x8b: {  	v7 =	vld [tilespmem:$0x2810]  }
0x8c: {  	v8 =	vld [tilespmem:$0x2800]  }
0x8d: {  	v4 =	vsub.s32 v4, v1  }
.Ltmp2:
0x8e: {  	v5 =	vsub.s32 v5, v1;
	v4 =	vmin.u32 v4, $0x1388;
	(pc) =	sbr.rel @p1 .LBB2_6-.Ltmp2, $4  }
0x8f: {  	v6 =	vsub.s32 v6, v1;
	v5 =	vmin.u32 v5, $0x1388;
	[tilespmem:$0x2840] =	vst v4  }
0x90: {  	v4 =	vsub.s32 v7, v1;
	v6 =	vmin.u32 v6, $0x1388;
	[tilespmem:$0x2830] =	vst v5  }
0x91: {  	v5 =	vsub.s32 v8, v1;
	v7 =	vmin.u32 v4, $0x1388;
	[tilespmem:$0x2820] =	vst v6  }
0x92: {  	v4 =	vmin.u32 v5, $0x1388;
	[tilespmem:$0x2810] =	vst v7  }
0x93: {  	[tilespmem:$0x2800] =	vst v4  }
0x94: {  	[spmem:s2] =	stream.indirect.scatter.add.f32 [tilespmem:s3], [sflag:$0x1], $0x80, s26, s29, $0xb8;
	[tilespmem:$0xD980] =	vst v63  }
0x95: {  	_ =	swait.ge [sflag:s13], $0x2800  }
0x96: {  	[sflag:s13] =	ssyncset.done $0x0  }
0x97: {  	[sflag:s13] =	ssyncadd.s32 $0xFFFFD800  }
0x98: {  	s1 =	simm.s32 $0x3480;
	[bflag:$0x0] =	sbarrier.arrive $0xFFFF  }
0x99: {  	[tilespmem:s12], [sflag:$0x1] =	stream.indirect.gather [spmem:s2], $0x80, s1, s10, $0xb8;
	[tilespmem:$0xD980] =	vst v63  }
0x9a: {  	_ =	swait.ge [sflag:s13], $0xC00  }
0x9b: {  	[sflag:s13] =	ssyncset.done $0x0  }
0x9c: {  	[sflag:s13] =	ssyncadd.s32 $0xFFFFF400  }
0x9d: {  	[hbm4b:s9+s3] =	stream.linear.scatter [tilespmem:s12], [sflag:$0x2], $0xC00, $0x38;
	[tilespmem:$0xD980] =	vst v63  }
0x9e: {  	s31 =	simm.s32 $0x400;
	_ =	swait.ge [sflag:s28], $0xC00  }
0x9f: {  	s7 =	sadd.s32 $0x180, s9;
	s1 =	simm.s32 $0x80;
	[sflag:s28] =	ssyncset.done $0x0  }
.LBB2_8:
0xa0: {  	s1 =	sadd.s32 $0x3480, s1  }
0xa1: {  	[sflag:s28] =	ssyncadd.s32 $0xFFFFF400;
	s11 =	smov.u32 s31;
	s14 =	sadd.s32 $0x200, s31  }
0xa2: {  	[tilespmem:s12], [sflag:$0x1] =	stream.indirect.gather [spmem:s2], $0x80, s1, s10, $0xb8;
	[tilespmem:$0xD980] =	vst v63  }
0xa3: {  	p1 =	sne.s32 s31, $0x1800;
	_ =	swait.ge [sflag:s13], $0xC00  }
.Ltmp3:
0xa4: {  	[sflag:s13] =	ssyncset.done $0x0;
	(pc) =	sbr.rel @p1 .LBB2_8-.Ltmp3, $4  }
0xa5: {  	[sflag:s13] =	ssyncadd.s32 $0xFFFFF400  }
0xa6: {  	[hbm4b:s7+s3] =	stream.linear.scatter [tilespmem:s12], [sflag:$0x2], $0xC00, $0x38;
	[tilespmem:$0xD980] =	vst v63  }
0xa7: {  	s1 =	sshra.s32 s11, $0x2;
	_ =	swait.ge [sflag:s28], $0xC00  }
0xa8: {  	s31 =	smov.u32 s14;
	s7 =	sadd.s32 $0x180, s7;
	[sflag:s28] =	ssyncset.done $0x0  }
0xa9: {  	s1 =	sadd.s32 $0x3480, s1;
	[sflag:s28] =	ssyncadd.s32 $0xFFFFF400  }
0xaa: {  	[tilespmem:s12], [sflag:$0x1] =	stream.indirect.gather [spmem:s2], $0x80, s1, s10, $0xb8;
	[tilespmem:$0xD980] =	vst v63  }
0xab: {  	_ =	swait.ge [sflag:s13], $0xC00  }
0xac: {  	[sflag:s13] =	ssyncset.done $0x0  }
0xad: {  	[sflag:s13] =	ssyncadd.s32 $0xFFFFF400  }
0xae: {  	[hbm4b:s7+s3] =	stream.linear.scatter [tilespmem:s12], [sflag:$0x2], $0xC00, $0x38;
	[tilespmem:$0xD980] =	vst v63  }
0xaf: {  	_ =	swait.ge [sflag:s28], $0xC00  }
0xb0: {  	v4 =	vlaneseq.u32 @!p0;
	[sflag:s28] =	ssyncset.done $0x0  }
0xb1: {  	v4 =	vadd.s32 @!p0 $0x1378, v4;
	[sflag:s28] =	ssyncadd.s32 $0xFFFFF400  }
0xb2: {  	s11 =	simm.s32 @!p0 $0x2880;
	s1 =	simm.s32 @!p0 $0x10;
	s7 =	simm.s32 @!p0 $0x3C80;
	[tilespmem:$0x3C80] =	vst @!p0 v4  }
0xb3: {  	[tilespmem:s11], [sflag:$0x1] =	stream.indirect.gather @!p0 [spmem:s2], $0x80, s7, s1, $0xb8;
	[tilespmem:$0xD980] =	vst v63  }
0xb4: {  	s1 =	simm.s32 @!p0 $0x1  }
0xb5: {  	_ =	swait.ge @!p0 [sflag:s1], $0x800  }
0xb6: {  	s30 =	sadd.s32 $0x1, s30;
	[sflag:s1] =	ssyncset.done @!p0 $0x0  }
0xb7: {  	p1 =	sne.s32 s30, s6;
	[sflag:s1] =	ssyncadd.s32 @!p0 $0xFFFFF800;
	s1 =	simm.s32 @!p0 $0x0  }
0xb8: {  	[hbm4b:s5+s1] =	stream.linear.scatter @!p0 [tilespmem:s11], [sflag:$0x2], $0x800, $0x38;
	[tilespmem:$0xD980] =	vst v63  }
.Ltmp4:
0xb9: {  	_ = 	snop;
	(pc) =	sbr.rel @p1 .LBB2_1-.Ltmp4, $4  }
0xba: {  	s1 =	simm.s32 @!p0 $0x2  }
0xbb: {  	_ =	swait.ge @!p0 [sflag:s1], $0x800  }
0xbc: {  	[sflag:s1] =	ssyncset.done @!p0 $0x0  }
0xbd: {  	[sflag:s1] =	ssyncadd.s32 @!p0 $0xFFFFF800  }
0xbe: {  	_ =	sfence.sel $0x180000  }
0xbf: {  	[bflag:$0x0] =	sbarrier.arrive $0xFFFF  }
0xc0: {  	_ =	strace $0x9000004D  }
0xc1: {  	s0 =	stileid.u32;
	[bflag:$0x2] =	sbarrier.arrive $0xFFFF  }
0xc2: {  	p0 =	sne.s32 s0, $0x0;
	s0 =	rddreg [dreg:$0x3]  }
0xc3: {  	s0 =	sadd.s32 @!p0 $0x100000, s0  }
0xc4: {  	[sflag:s0] =	ssyncadd.tile.s32 @!p0 $0x1;
	_ =	shalt  }
.Lfunc_end2:
_tile_overlayer_lowered:
.L_overlay_start_2:
0xc5: {  	(tag) =	ssettag $0x2  }
0xc6: {  	s0 =	rddreg [dreg:$0x0];
	s2 =	stileid.u32  }
0xc7: {  	s1 =	rddreg [dreg:$0x1];
	p0 =	sne.s32 s2, $0x0  }
0xc8: {  	s3 =	rddreg [dreg:$0x2];
	[bflag:$0x3] =	sbarrier.arrive $0xFFFF;
	s2 =	simm.s32 @!p0 $0x1C02  }
0xc9: {  	[timem:s3], [sflag:s2] =	dma.local @!p0 [hbm:s0], s1  }
0xca: {  	s0 =	simm.s32 @!p0 $0x2  }
0xcb: {  	_ =	swait.ge @!p0 [sflag:s0], s1  }
0xcc: {  	s1 =	ssub.s32 @!p0 $0x0, s1;
	[sflag:s0] =	ssyncset.done @!p0 $0x0  }
0xcd: {  	[sflag:s0] =	ssyncadd.s32 @!p0 s1  }
0xce: {  	[bflag:$0x3] =	sbarrier.arrive $0xFFFF  }
0xcf: {  	_ =	shalt  }

// kernel: kernel.9.cloned.1.call-start
scs
__scs_entry_jumppad:
0x0: {  	(pc) =	sbr.rel $0x88, $3  }
0x1: {  	(tag) =	ssettag $0x0;
	lr =	simm.s32 $0x1  }
0x2: {  	[smem:$0x3F93] =	sst lr;
	_ =	strace $0xD0000000  }
0x3: {  	_ = 	snop  }
0x4: {  	_ = 	snop  }
0x5: {  	_ = 	snop  }
0x6: {  	_ = 	snop  }
0x7: {  	_ = 	snop  }
__scs_overlays_trampoline_lowered:
0x8: {  	[smem:$0x3FA2] =	sst s0  }
0x9: {  	[smem:$0x3FA3] =	sst s1  }
0xa: {  	[smem:$0x3FA4] =	sst s2  }
0xb: {  	[smem:$0x3FA5] =	sst s3  }
0xc: {  	[smem:$0x3FA6] =	sst s4  }
0xd: {  	[smem:$0x3FA7] =	sst s5  }
0xe: {  	[smem:$0x3FA8] =	sst s6  }
0xf: {  	[smem:$0x3FA9] =	sst s7  }
0x10: {  	[smem:$0x3FAA] =	sst s8  }
0x11: {  	[smem:$0x3FAB] =	sst s9;
	s0 =	simm.s32 @!p0 $0x0  }
0x12: {  	s1 =	sld [smem:$0x3F91];
	s0 =	simm.s32 @p0 $0x1  }
0x13: {  	[smem:$0x3FAC] =	sst s0;
	s0 =	simm.s32 @!p1 $0x0  }
0x14: {  	s2 =	sld [smem:$0x3F90];
	s0 =	simm.s32 @p1 $0x1  }
0x15: {  	[smem:$0x3FAD] =	sst s0;
	s0 =	simm.s32 @!p2 $0x0  }
0x16: {  	s3 =	sld [smem:$0x3FDB];
	s0 =	simm.s32 @p2 $0x1  }
0x17: {  	s4 =	simm.s32 $0x1BF5;
	[smem:$0x3FAF] =	sst s0  }
0x18: {  	s0 =	sld [smem:$0x3F92];
	_ =	swait.ge [sflag:s4], $0x0  }
0x19: {  	s7 =	sld [smem:$0x3F93]  }
0x1a: {  	s8 =	sadd.s32 $0xFFFFE003, lr  }
0x1b: {  	s9 =	sadd.s32 $0xFFFFFEF7, lr;
	s5 =	simm.s32 $0xFFFFFFFF;
	p2 =	slt.u32 s8, $0xFFFFF086  }
0x1c: {  	p1 =	slt.u32 s9, $0xF7A;
	s5 =	simm.s32 @!p2 $0x0  }
0x1d: {  	s5 =	simm.s32 @p1 $0x1;
	p0 =	seq.s32 s7, s2  }
0x1e: {  	s7 =	smul.u32 @!p0 $0xF7A, s2;
	p2 =	seq.s32 @!p0 s5, $0x0  }
0x1f: {  	s9 =	smul.u32 $0xF7A, s1;
	s8 =	simm.s32 @!p0 $0x1BF5;
	p2 =	por !p2, p0  }
0x20: {  	[sflag:s8] =	ssyncset.s32 @!p0 $0xFFFFF086;
	s6 =	sadd.s32 @!p0 s3, s7;
	s7 =	simm.s32 @!p0 $0x108  }
0x21: {  	s3 =	sadd.s32 s3, s9;
	s6 =	sadd.s32 @!p0 $0x88, s6;
	s7 =	simm.s32 @p2 $0x1082  }
0x22: {  	[simem:s7], [sflag:s8] =	dma.local @!p0 [hbm:s6], $0xF7A  }
0x23: {  	s9 =	sor.u32 $0xD0000000, s2;
	s6 =	simm.s32 $0x108;
	_ =	swait.ge @!p0 [sflag:s8], $0x0  }
0x24: {  	s3 =	sadd.s32 $0x88, s3;
	s6 =	simm.s32 @!p1 $0x1082;
	[sflag:s4] =	ssyncset.s32 $0xFFFFF086  }
0x25: {  	[simem:s6], [sflag:s4] =	dma.local [hbm:s3], $0xF7A  }
0x26: {  	[smem:$0x3F93] =	sst s1;
	(tag) =	ssettag s2;
	_ =	strace s9  }
0x27: {  	s1 =	sld [smem:$0x3FA3]  }
0x28: {  	s2 =	sld [smem:$0x3FA4]  }
0x29: {  	s4 =	sld [smem:$0x3FA6]  }
0x2a: {  	p0 =	seq.s32 s5, $0x0;
	s5 =	sld [smem:$0x3FA7]  }
0x2b: {  	s6 =	sld [smem:$0x3FA8]  }
0x2c: {  	s7 =	sld [smem:$0x3FA9]  }
0x2d: {  	s3 =	simm.s32 $0x108;
	s8 =	sld [smem:$0x3FAA]  }
0x2e: {  	s3 =	simm.s32 @!p0 $0x1082;
	s9 =	sld [smem:$0x3FAB]  }
0x2f: {  	lr =	sadd.s32 s0, s3;
	s0 =	sld [smem:$0x3FA2]  }
0x30: {  	s3 =	sld [smem:$0x3FA5]  }
0x31: {  	[smem:$0x3FAE] =	sst s10  }
0x32: {  	s10 =	sld [smem:$0x3FAC];
	_ =	sdelay $0x3  }
0x33: {  	p0 =	seq.s32 s10, $0x1;
	s10 =	sld [smem:$0x3FAE];
	_ =	sdelay $0x3  }
0x34: {  	[smem:$0x3FAE] =	sst s10  }
0x35: {  	s10 =	sld [smem:$0x3FAD];
	_ =	sdelay $0x3  }
0x36: {  	p1 =	seq.s32 s10, $0x1;
	s10 =	sld [smem:$0x3FAE];
	_ =	sdelay $0x3  }
0x37: {  	[smem:$0x3FAE] =	sst s10  }
0x38: {  	s10 =	sld [smem:$0x3FAF]  }
0x39: {  	_ = 	snop;
	(pc) =	sbr.ind lr, $3  }
0x3a: {  	_ = 	snop  }
0x3b: {  	_ = 	snop  }
0x3c: {  	p2 =	seq.s32 s10, $0x1;
	s10 =	sld [smem:$0x3FAE]  }
0x3d: {  	_ =	shalt  }
0x3e: {  	_ =	shalt  }
0x3f: {  	_ =	shalt  }
0x40: {  	_ =	shalt  }
0x41: {  	_ =	shalt  }
0x42: {  	_ =	shalt  }
0x43: {  	_ =	shalt  }
0x44: {  	_ =	shalt  }
0x45: {  	_ =	shalt  }
0x46: {  	_ =	shalt  }
0x47: {  	_ =	shalt  }
0x48: {  	_ =	shalt  }
0x49: {  	_ =	shalt  }
0x4a: {  	_ =	shalt  }
0x4b: {  	_ =	shalt  }
0x4c: {  	_ =	shalt  }
0x4d: {  	_ =	shalt  }
0x4e: {  	_ =	shalt  }
0x4f: {  	_ =	shalt  }
0x50: {  	_ =	shalt  }
0x51: {  	_ =	shalt  }
0x52: {  	_ =	shalt  }
0x53: {  	_ =	shalt  }
0x54: {  	_ =	shalt  }
0x55: {  	_ =	shalt  }
0x56: {  	_ =	shalt  }
0x57: {  	_ =	shalt  }
0x58: {  	_ =	shalt  }
0x59: {  	_ =	shalt  }
0x5a: {  	_ =	shalt  }
0x5b: {  	_ =	shalt  }
0x5c: {  	_ =	shalt  }
0x5d: {  	_ =	shalt  }
0x5e: {  	_ =	shalt  }
0x5f: {  	_ =	shalt  }
0x60: {  	_ =	shalt  }
0x61: {  	_ =	shalt  }
0x62: {  	_ =	shalt  }
0x63: {  	_ =	shalt  }
0x64: {  	_ =	shalt  }
0x65: {  	_ =	shalt  }
0x66: {  	_ =	shalt  }
0x67: {  	_ =	shalt  }
0x68: {  	_ =	shalt  }
0x69: {  	_ =	shalt  }
0x6a: {  	_ =	shalt  }
0x6b: {  	_ =	shalt  }
0x6c: {  	_ =	shalt  }
0x6d: {  	_ =	shalt  }
0x6e: {  	_ =	shalt  }
0x6f: {  	_ =	shalt  }
0x70: {  	_ =	shalt  }
0x71: {  	_ =	shalt  }
0x72: {  	_ =	shalt  }
0x73: {  	_ =	shalt  }
0x74: {  	_ =	shalt  }
0x75: {  	_ =	shalt  }
0x76: {  	_ =	shalt  }
0x77: {  	_ =	shalt  }
0x78: {  	_ =	shalt  }
0x79: {  	_ =	shalt  }
0x7a: {  	_ =	shalt  }
0x7b: {  	_ =	shalt  }
0x7c: {  	_ =	shalt  }
0x7d: {  	_ =	shalt  }
0x7e: {  	_ =	shalt  }
0x7f: {  	_ =	shalt  }
0x80: {  	_ =	shalt  }
0x81: {  	_ =	shalt  }
0x82: {  	_ =	shalt  }
0x83: {  	_ =	shalt  }
0x84: {  	_ =	shalt  }
0x85: {  	_ =	shalt  }
0x86: {  	_ =	shalt  }
0x87: {  	_ =	shalt  }
.Lfunc_end0:
.L_simem_size_0:
called_computation_lowered:
.L_overlay_start_0:
0x88: {  	s2 =	sld [smem:$0x3FD9]  }
0x89: {  	s3 =	sld [smem:$0x3FFE];
	_ =	sdelay $0x1  }
0x8a: {  	s1 =	srdreg.scid  }
0x8b: {  	s0 =	sand.u32 $0x1, s1  }
0x8c: {  	s17 =	sshll.u32 s0, $0xA;
	s2 =	sadd.s32 s3, s2  }
0x8d: {  	s2 =	sadd.s32 s2, s17  }
0x8e: {  	[smem:$0x3FBA] =	sst s2  }
0x8f: {  	_ = 	snop  }
0x90: {  	s2 =	sld [smem:$0x3FC9]  }
0x91: {  	s18 =	sld [smem:$0x3FD0];
	(tm) =	ssettm $0x1  }
0x92: {  	s4 =	sld [smem:$0x3FFB];
	_ =	sdelay $0x3  }
0x93: {  	_ =	strace s4  }
0x94: {  	s4 =	sld [smem:$0x3FFC];
	_ =	sdelay $0x3  }
0x95: {  	_ =	strace s4  }
0x96: {  	s4 =	sld [smem:$0x3FFD];
	_ =	sdelay $0x3  }
0x97: {  	_ =	strace s4  }
0x98: {  	_ =	strace $0x8FFFFFFF  }
0x99: {  	s19 =	sld [smem:$0x3FDB];
	_ =	sdelay $0x1  }
0x9a: {  	s5 =	simm.s32 $_scs_section_size  }
0x9b: {  	s6 =	simm.s32 $_size__tile_overlayer_lowered;
	s7 =	simm.s32 $_tile_overlayer_lowered  }
0x9c: {  	s22 =	simm.s32 $0x1BFF;
	s21 =	sshll.u32 s7, $0x1;
	s4 =	sadd.s32 s5, s19  }
0x9d: {  	s8 =	simm.s32 $0x0;
	s20 =	sshll.u32 s6, $0x1;
	s6 =	sadd.s32 s21, s4  }
0x9e: {  	[timem:s8], [sflag:s22] =	dma.local [hbm:s6], s20  }
0x9f: {  	_ =	swait.ge [sflag:s22], s20  }
0xa0: {  	s5 =	ssub.s32 $0x0, s20;
	[sflag:s22] =	ssyncset.done $0x0  }
0xa1: {  	[sflag:s22] =	ssyncadd.s32 s5;
	_ =	sdelay $0x1  }
0xa2: {  	s23 =	simm.s32 $0x1B8B  }
0xa3: {  	_ =	swait.ge [sflag:s23], $0x1  }
0xa4: {  	[sflag:s23] =	ssyncset.done $0x0  }
0xa5: {  	s25 =	simm.s32 $0x1B8E;
	s24 =	sld [smem:$0x3FFE];
	[sflag:s23] =	ssyncadd.s32 $0xFFFFFFFF  }
0xa6: {  	s26 =	simm.s32 $execute0_lowered;
	[smem:$0x3FD2] =	sst s25  }
0xa7: {  	s6 =	sshll.u32 s26, $0x1;
	_ =	strace $0x80000046;
	[dreg:$0x1] =	wrdreg $0xFFFFFFFF  }
0xa8: {  	s28 =	simm.s32 $_size_execute0_lowered;
	s4 =	sadd.s32 s4, s6;
	[dreg:$0x0] =	wrdreg $0x0  }
0xa9: {  	s6 =	sshll.u32 s28, $0x1;
	[dreg:$0x2] =	wrdreg s4  }
0xaa: {  	[dreg:$0x3] =	wrdreg s6  }
0xab: {  	[dreg:$0x4] =	wrdreg $0xC0  }
0xac: {  	_ =	task [dreg:s8], $0x5FFFF  }
0xad: {  	[dreg:$0x1] =	wrdreg $0xFFFFFFFF  }
0xae: {  	[dreg:$0x0] =	wrdreg $0x60  }
0xaf: {  	[dreg:$0x2] =	wrdreg s2  }
0xb0: {  	[dreg:$0x3] =	wrdreg s18  }
0xb1: {  	[dreg:$0x4] =	wrdreg s24  }
0xb2: {  	[dreg:$0x5] =	wrdreg $0xA  }
0xb3: {  	_ =	task.clear_ibuf [dreg:s8], $0x6FFFF;
	_ =	strace $0x90000046  }
0xb4: {  	s29 =	simm.s32 $0xA;
	_ =	strace $0x80000048  }
0xb5: {  	_ =	swait.ge [sflag:s29], $0x1  }
0xb6: {  	[sflag:s29] =	ssyncadd.s32 $0xFFFFFFFF  }
0xb7: {  	_ =	strace $0x90000048  }
0xb8: {  	_ =	sfence  }
0xb9: {  	s30 =	sld [smem:$0x0];
	_ =	sdelay $0x2  }
0xba: {  	s31 =	sshll.u32 s1, $0xD;
	s1 =	sshrl.u32 s1, $0x2  }
0xbb: {  	s3 =	sand.u32 $0x4000, s31;
	s1 =	sadd.s32 s1, s30  }
0xbc: {  	s0 =	sor.u32 s3, s0;
	s1 =	sshll.u32 s1, $0x11  }
0xbd: {  	s0 =	sor.u32 s1, s0  }
0xbe: {  	s0 =	sadd.s32 $0x8F2B, s0  }
0xbf: {  	[sflag:s0] =	ssyncadd.remote.s32 $0x1  }
0xc0: {  	_ =	sfence.sel $0xFFFF  }
0xc1: {  	[dreg:$0x0] =	wrdreg $0xFFFFFFFF;
	(pc) =	sbr.abs _section_cstart, $3  }
0xc2: {  	[dreg:$0x1] =	wrdreg $0xFFFFFFFF  }
0xc3: {  	_ =	task.clear_ibuf [dreg:s8], $0x2FFFF;
	_ =	strace $0x9FFFFFFF  }
0xc4: {  	(tm) =	ssettm $0x7FFFFFFF  }
0xc5: {  	_ =	shalt  }
tec
execute0_lowered:
.L_overlay_start_1:
0x0: {  	(tag) =	ssettag $0x1  }
0x1: {  	s1 =	rddreg [dreg:$0x0]  }
0x2: {  	s0 =	stileid.u32;
	s6 =	rddreg [dreg:$0x1]  }
0x3: {  	s2 =	srdreg.scid;
	s7 =	rddreg [dreg:$0x2]  }
0x4: {  	s3 =	simm.s32 $0x0;
	s11 =	simm.s32 $0x0;
	s4 =	smul.u32 $0x9C400, s0  }
0x5: {  	s5 =	sand.u32 $0x1, s2;
	s2 =	rddreg [dreg:$0x3];
	s9 =	smul.u32 $0x9C40, s0  }
0x6: {  	[smem:$0x7FF] =	sst s3;
	s8 =	smul.u32 $0x4E200, s5;
	s10 =	ssub.s32 $0x2, s5  }
0x7: {  	s5 =	smul.u32 $0x4E20, s5;
	s4 =	sadd.s32 s4, s7;
	s30 =	sshrl.u32 s10, $0x1  }
0x8: {  	_ =	strace $0x80000047;
	s7 =	ssub.s32 s10, s30;
	s8 =	sadd.s32 s8, s4  }
0x9: {  	s9 =	sadd.s32 s5, s9;
	s10 =	simm.s32 $0x1;
	s4 =	smax.u32 s7, $0x1  }
0xa: {  	s5 =	sadd.s32 $0x4000, s8;
	s31 =	sshrl.u32 s9, $0x3;
	s7 =	simm.s32 $0x2  }
0xb: {  	s8 =	simm.s32 $0x190;
	s9 =	simm.s32 $0x200;
	s6 =	sadd.s32 s31, s6  }
.LBB2_1:
0xc: {  	s12 =	sadd.s32 $0x0, s6  }
0xd: {  	[tilespmem:s3], [sflag:$0x2] =	stream.linear.gather [hbm4b:s12+s3], $0x190, $0x38;
	[tilespmem:$0xCA00] =	vst v63  }
0xe: {  	_ =	swait.ge [sflag:s7], $0x190  }
0xf: {  	[sflag:s7] =	ssyncset.done $0x0  }
0x10: {  	[sflag:s7] =	ssyncadd.s32 $0xFFFFFE70  }
0x11: {  	[tilespmem:s9], [sflag:$0x1] =	stream.indirect.gather [hbm4b:s1+s8], $0x80, s3, s8, $0xb8;
	[tilespmem:$0xCA00] =	vst v63  }
0x12: {  	_ =	swait.ge [sflag:s10], $0xC800  }
0x13: {  	[sflag:s10] =	ssyncset.done $0x0  }
0x14: {  	[sflag:s10] =	ssyncadd.s32 $0xFFFF3800  }
0x15: {  	[hbm4b:s5+s3] =	stream.linear.scatter [tilespmem:s9], [sflag:$0x2], $0xC800, $0x38;
	[tilespmem:$0xCA00] =	vst v63  }
0x16: {  	s13 =	simm.s32 $0x32;
	_ =	swait.ge [sflag:s7], $0xC800  }
0x17: {  	s14 =	simm.s32 $0x64;
	s12 =	sadd.s32 $0x1900, s5;
	[sflag:s7] =	ssyncset.done $0x0  }
.LBB2_2:
0x18: {  	s15 =	sadd.s32 s13, s6  }
0x19: {  	[sflag:s7] =	ssyncadd.s32 $0xFFFF3800;
	s13 =	smov.u32 s14;
	s16 =	sadd.s32 $0x32, s14  }
0x1a: {  	[tilespmem:s3], [sflag:$0x2] =	stream.linear.gather [hbm4b:s15+s3], $0x190, $0x38;
	[tilespmem:$0xCA00] =	vst v63  }
0x1b: {  	p0 =	sne.s32 s14, $0x992;
	_ =	swait.ge [sflag:s7], $0x190  }
0x1c: {  	[sflag:s7] =	ssyncset.done $0x0  }
0x1d: {  	[sflag:s7] =	ssyncadd.s32 $0xFFFFFE70  }
0x1e: {  	[tilespmem:s9], [sflag:$0x1] =	stream.indirect.gather [hbm4b:s1+s8], $0x80, s3, s8, $0xb8;
	[tilespmem:$0xCA00] =	vst v63  }
0x1f: {  	_ =	swait.ge [sflag:s10], $0xC800  }
.Ltmp0:
0x20: {  	[sflag:s10] =	ssyncset.done $0x0;
	(pc) =	sbr.rel @p0 .LBB2_2-.Ltmp0, $4  }
0x21: {  	[sflag:s10] =	ssyncadd.s32 $0xFFFF3800  }
0x22: {  	[hbm4b:s12+s3] =	stream.linear.scatter [tilespmem:s9], [sflag:$0x2], $0xC800, $0x38;
	[tilespmem:$0xCA00] =	vst v63  }
0x23: {  	_ =	swait.ge [sflag:s7], $0xC800  }
0x24: {  	s14 =	smov.u32 s16;
	s12 =	sadd.s32 $0x1900, s12;
	[sflag:s7] =	ssyncset.done $0x0  }
0x25: {  	s13 =	sadd.s32 s13, s6;
	[sflag:s7] =	ssyncadd.s32 $0xFFFF3800  }
0x26: {  	[tilespmem:s3], [sflag:$0x2] =	stream.linear.gather [hbm4b:s13+s3], $0x190, $0x38;
	[tilespmem:$0xCA00] =	vst v63  }
0x27: {  	_ =	swait.ge [sflag:s7], $0x190  }
0x28: {  	[sflag:s7] =	ssyncset.done $0x0  }
0x29: {  	[sflag:s7] =	ssyncadd.s32 $0xFFFFFE70  }
0x2a: {  	[tilespmem:s9], [sflag:$0x1] =	stream.indirect.gather [hbm4b:s1+s8], $0x80, s3, s8, $0xb8;
	[tilespmem:$0xCA00] =	vst v63  }
0x2b: {  	s11 =	sadd.s32 $0x1, s11;
	_ =	swait.ge [sflag:s10], $0xC800  }
0x2c: {  	p0 =	sne.s32 s11, s4;
	[sflag:s10] =	ssyncset.done $0x0  }
.Ltmp1:
0x2d: {  	[sflag:s10] =	ssyncadd.s32 $0xFFFF3800;
	(pc) =	sbr.rel @p0 .LBB2_1-.Ltmp1, $4  }
0x2e: {  	[hbm4b:s12+s3] =	stream.linear.scatter [tilespmem:s9], [sflag:$0x2], $0xC800, $0x38;
	[tilespmem:$0xCA00] =	vst v63  }
0x2f: {  	_ =	swait.ge [sflag:s7], $0xC800  }
0x30: {  	[sflag:s7] =	ssyncset.done $0x0  }
0x31: {  	[sflag:s7] =	ssyncadd.s32 $0xFFFF3800  }
0x32: {  	_ =	sfence.sel $0x180000  }
0x33: {  	[bflag:$0x0] =	sbarrier.arrive $0xFFFF  }
0x34: {  	p0 =	sne.s32 s0, $0x0;
	_ =	strace $0x90000047  }
0x35: {  	s0 =	sadd.s32 @!p0 $0x100000, s2;
	[bflag:$0x2] =	sbarrier.arrive $0xFFFF  }
0x36: {  	[sflag:s0] =	ssyncadd.tile.s32 @!p0 $0x1;
	_ =	shalt  }
.Lfunc_end2:
_tile_overlayer_lowered:
.L_overlay_start_2:
0x37: {  	(tag) =	ssettag $0x2  }
0x38: {  	s0 =	rddreg [dreg:$0x0];
	s2 =	stileid.u32  }
0x39: {  	s1 =	rddreg [dreg:$0x1];
	p0 =	sne.s32 s2, $0x0  }
0x3a: {  	s3 =	rddreg [dreg:$0x2];
	[bflag:$0x3] =	sbarrier.arrive $0xFFFF;
	s2 =	simm.s32 @!p0 $0x1C02  }
0x3b: {  	[timem:s3], [sflag:s2] =	dma.local @!p0 [hbm:s0], s1  }
0x3c: {  	s0 =	simm.s32 @!p0 $0x2  }
0x3d: {  	_ =	swait.ge @!p0 [sflag:s0], s1  }
0x3e: {  	s1 =	ssub.s32 @!p0 $0x0, s1;
	[sflag:s0] =	ssyncset.done @!p0 $0x0  }
0x3f: {  	[sflag:s0] =	ssyncadd.s32 @!p0 s1  }
0x40: {  	[bflag:$0x3] =	sbarrier.arrive $0xFFFF  }
0x41: {  	_ =	shalt  }

</sc_bundles>
